<compile_context>
chip_gen: v7x
topology: tpu7x:2x2x1
jax: 0.10.2.dev20260603
libtpu: 0.0.44.dev20260713+nightly
codegen_flags: <defaults>
</compile_context>

<pallas_src>
import jax
import jax.numpy as jnp
from jax import lax
from jax.experimental import pallas as pl
from jax.experimental.pallas import tpu as pltpu
from jax.experimental.pallas import tpu_sc as plsc

VOCAB_SIZE = 1000000
EMBED_DIM = 64
BATCH_SIZE = 4096
SEQ_LEN = 200

NUM_CORES = 2
NUM_SUBCORES = 16
NUM_WORKERS = NUM_CORES * NUM_SUBCORES
LANES = 16

SEQS_PER_WORKER = BATCH_SIZE // NUM_WORKERS
CHUNK_SEQS = 2
CHUNK_ROWS = CHUNK_SEQS * SEQ_LEN
N_CHUNKS = SEQS_PER_WORKER // CHUNK_SEQS
ROWS_PER_WORKER = SEQS_PER_WORKER * SEQ_LEN

D_CHUNKS = EMBED_DIM // LANES
GATHER_GROUPS = CHUNK_ROWS // LANES

NBUF = 4


def _positions(seq_len, hidden_size, max_wavelength=10000.0):
    position = jnp.arange(seq_len, dtype=jnp.float32)
    min_freq = 1.0 / max_wavelength
    timescales = jnp.power(
        min_freq,
        (2.0 * (jnp.arange(hidden_size) // 2).astype(jnp.float32))
        / float(hidden_size),
    )
    angles = position[:, None] * timescales[None, :]
    cos_mask = (jnp.arange(hidden_size) % 2).astype(jnp.float32)
    sin_mask = 1.0 - cos_mask
    return jnp.sin(angles) * sin_mask + jnp.cos(angles) * cos_mask


def _sc_kernel(table_hbm, idx_hbm, pos_hbm, out_hbm, *scratch):
    idx_v = scratch[0:NBUF]
    rows_v = scratch[NBUF : 2 * NBUF]
    pos_v = scratch[2 * NBUF]
    sem_i = scratch[2 * NBUF + 1 : 2 * NBUF + 1 + NBUF]
    sem_g = scratch[2 * NBUF + 1 + NBUF : 2 * NBUF + 1 + 2 * NBUF]
    sem_w = scratch[2 * NBUF + 1 + 2 * NBUF : 2 * NBUF + 1 + 3 * NBUF]

    wid = lax.axis_index("s") * NUM_CORES + lax.axis_index("c")
    row_base = wid * ROWS_PER_WORKER

    def fire_idx(c, b):
        off = row_base + c * CHUNK_ROWS
        pltpu.async_copy(idx_hbm.at[pl.ds(off, CHUNK_ROWS)], idx_v[b], sem_i[b])

    def wait_idx(b):
        pltpu.make_async_copy(
            idx_hbm.at[pl.ds(0, CHUNK_ROWS)], idx_v[b], sem_i[b]
        ).wait()

    def fire_gather(b):
        @pl.loop(0, GATHER_GROUPS)
        def _fire(k):
            off = k * LANES
            vec = idx_v[b][pl.ds(off, LANES)]
            pltpu.async_copy(
                table_hbm.at[vec],
                rows_v[b].at[pl.ds(off, LANES)],
                sem_g[b],
            )

    def wait_gather(b):
        @pl.loop(0, GATHER_GROUPS)
        def _wait(k):
            pltpu.make_async_copy(
                table_hbm.at[idx_v[b][pl.ds(0, LANES)]],
                rows_v[b].at[pl.ds(0, LANES)],
                sem_g[b],
            ).wait()

    def fire_wb(c, b):
        off = row_base + c * CHUNK_ROWS
        pltpu.async_copy(rows_v[b], out_hbm.at[pl.ds(off, CHUNK_ROWS)], sem_w[b])

    def wait_wb(b):
        pltpu.make_async_copy(
            rows_v[b], out_hbm.at[pl.ds(0, CHUNK_ROWS)], sem_w[b]
        ).wait()

    def pos_add(b):
        @pl.loop(0, SEQ_LEN)
        def _row(l):
            for j in range(D_CHUNKS):
                pv = pos_v[pl.ds(l * EMBED_DIM + j * LANES, LANES)]
                for s in range(CHUNK_SEQS):
                    plsc.addupdate(
                        rows_v[b].at[s * SEQ_LEN + l, pl.ds(j * LANES, LANES)], pv
                    )

    pltpu.sync_copy(pos_hbm, pos_v)
    for b in range(NBUF):
        fire_idx(b, b)
    wait_idx(0)
    fire_gather(0)
    wait_idx(1)
    fire_gather(1)

    @pl.loop(0, N_CHUNKS // NBUF)
    def _group(i):
        for b in range(NBUF):
            c = i * NBUF + b
            wait_gather(b)

            @pl.when(i < N_CHUNKS // NBUF - 1)
            def _():
                fire_idx(c + NBUF, b)

            pos_add(b)
            fire_wb(c, b)

            b2 = (b + 2) % NBUF
            if b < 2:
                @pl.when(i >= 1)
                def _():
                    wait_wb(b2)

                wait_idx(b2)
                fire_gather(b2)
            else:
                wait_wb(b2)

                @pl.when(i < N_CHUNKS // NBUF - 1)
                def _():
                    wait_idx(b2)
                    fire_gather(b2)

    wait_wb(2)
    wait_wb(3)


def kernel(x, table):
    idx = x.reshape(BATCH_SIZE * SEQ_LEN).astype(jnp.int32)
    pos = _positions(SEQ_LEN, EMBED_DIM).reshape(SEQ_LEN * EMBED_DIM)
    mesh = plsc.VectorSubcoreMesh(core_axis_name="c", subcore_axis_name="s")
    scratch_types = (
        [pltpu.VMEM((CHUNK_ROWS,), jnp.int32)] * NBUF
        + [pltpu.VMEM((CHUNK_ROWS, EMBED_DIM), jnp.float32)] * NBUF
        + [pltpu.VMEM((SEQ_LEN * EMBED_DIM,), jnp.float32)]
        + [pltpu.SemaphoreType.DMA] * (3 * NBUF)
    )
    flat = pl.kernel(
        _sc_kernel,
        out_type=jax.ShapeDtypeStruct((BATCH_SIZE * SEQ_LEN, EMBED_DIM), jnp.float32),
        mesh=mesh,
        scratch_types=scratch_types,
        compiler_params=pltpu.CompilerParams(use_tc_tiling_on_sc=False),
    )(table, idx, pos)
    return flat.reshape(BATCH_SIZE, SEQ_LEN, EMBED_DIM)

# --- scband reference (transcript-rebuilt; emitter-appended) ---
"""Pipeline reference for scband-token-and-position-embedding-12094627905791 (READ-ONLY COPY).

The authoritative reference and input builder live on the scoring server;
editing this copy changes nothing except your own understanding.
"""

import jax, jax.numpy as jnp
import numpy as np

VOCAB = 1000000
EMBED = 64
BATCH = 4096
SEQ = 200


def _sine_pos_encoding(seq_len, hidden_size, max_wavelength=10000.0):
    position = jnp.arange(seq_len, dtype=jnp.float32)
    min_freq = 1.0 / max_wavelength
    timescales = jnp.power(
        min_freq,
        (2.0 * (jnp.arange(hidden_size) // 2).astype(jnp.float32)) / float(hidden_size),
    )
    angles = position[:, None] * timescales[None, :]
    cos_mask = (jnp.arange(hidden_size) % 2).astype(jnp.float32)
    sin_mask = 1.0 - cos_mask
    return jnp.sin(angles) * sin_mask + jnp.cos(angles) * cos_mask


def setup_inputs(seed: int = 0) -> dict:
    key = jax.random.key(seed)
    k1, k2 = jax.random.split(key)
    x = jax.random.randint(k1, (BATCH, SEQ), 0, VOCAB)
    # he_uniform over fan_in=VOCAB -> limit = sqrt(6/VOCAB); scale roughly similar
    limit = float(np.sqrt(6.0 / VOCAB))
    table = jax.random.uniform(k2, (VOCAB, EMBED), minval=-limit, maxval=limit, dtype=jnp.float32)
    return {"x": x, "table": table}


def reference(x, table):
    t = jnp.take(table, x, axis=0)  # [B, L, D] embedding gather
    p = _sine_pos_encoding(t.shape[-2], t.shape[-1])  # [L, D]
    return t + p[None, :, :]

if __name__ == "__main__":
    import jax
    _d = setup_inputs()
    print(jax.jit(kernel)(*tuple(_d.values())))

</pallas_src>

<mosaic_0001>
#map = affine_map<(d0, d1) -> (0, 0)>
#map1 = affine_map<(d0, d1) -> (0)>
module attributes {stable_mosaic.version = 14 : i64} {
  func.func @_sc_kernel(%arg0: i32, %arg1: i32, %arg2: memref<1000000x64xf32, #tpu.memory_space<hbm>>, %arg3: memref<819200xi32, #tpu.memory_space<hbm>>, %arg4: memref<12800xf32, #tpu.memory_space<hbm>>, %arg5: memref<819200x64xf32, #tpu.memory_space<hbm>>, %arg6: memref<400xi32, #tpu.memory_space<vmem>>, %arg7: memref<400xi32, #tpu.memory_space<vmem>>, %arg8: memref<400xi32, #tpu.memory_space<vmem>>, %arg9: memref<400xi32, #tpu.memory_space<vmem>>, %arg10: memref<400x64xf32, #tpu.memory_space<vmem>>, %arg11: memref<400x64xf32, #tpu.memory_space<vmem>>, %arg12: memref<400x64xf32, #tpu.memory_space<vmem>>, %arg13: memref<400x64xf32, #tpu.memory_space<vmem>>, %arg14: memref<12800xf32, #tpu.memory_space<vmem>>, %arg15: memref<!tpu.dma_semaphore, #tpu.memory_space<semaphore_mem>>, %arg16: memref<!tpu.dma_semaphore, #tpu.memory_space<semaphore_mem>>, %arg17: memref<!tpu.dma_semaphore, #tpu.memory_space<semaphore_mem>>, %arg18: memref<!tpu.dma_semaphore, #tpu.memory_space<semaphore_mem>>, %arg19: memref<!tpu.dma_semaphore, #tpu.memory_space<semaphore_mem>>, %arg20: memref<!tpu.dma_semaphore, #tpu.memory_space<semaphore_mem>>, %arg21: memref<!tpu.dma_semaphore, #tpu.memory_space<semaphore_mem>>, %arg22: memref<!tpu.dma_semaphore, #tpu.memory_space<semaphore_mem>>, %arg23: memref<!tpu.dma_semaphore, #tpu.memory_space<semaphore_mem>>, %arg24: memref<!tpu.dma_semaphore, #tpu.memory_space<semaphore_mem>>, %arg25: memref<!tpu.dma_semaphore, #tpu.memory_space<semaphore_mem>>, %arg26: memref<!tpu.dma_semaphore, #tpu.memory_space<semaphore_mem>>) attributes {dimension_semantics = [#tpu.dimension_semantics<core_parallel>, #tpu.dimension_semantics<subcore_parallel>], iteration_bounds = array<i64: 2, 16>, scalar_prefetch = 0 : i64, scratch_operands = 21 : i64, tpu.core_type = #tpu.core_type<sc_vector_subcore>, window_params = [{transform_indices = #map}, {transform_indices = #map1}, {transform_indices = #map1}, {transform_indices = #map}]} {
    %mul3A = arith.constant 2 : i32
    %mul3A_0 = arith.muli %arg1, %mul3A : i32
    %add3A = arith.addi %mul3A_0, %arg0 : i32
    %mul3A_1 = arith.constant 25600 : i32
    %mul3A_2 = arith.muli %add3A, %mul3A_1 : i32
    "tpu.region"() ({
      %run_scoped3A = tpu.sem_alloc : memref<!tpu.dma_semaphore, #tpu.memory_space<semaphore_mem>>
      tpu.enqueue_dma source(%arg4 : memref<12800xf32, #tpu.memory_space<hbm>>) target(%arg14 : memref<12800xf32, #tpu.memory_space<vmem>>) target_semaphore(%run_scoped3A : memref<!tpu.dma_semaphore, #tpu.memory_space<semaphore_mem>>)
      tpu.wait_dma2 semaphore(%run_scoped3A : memref<!tpu.dma_semaphore, #tpu.memory_space<semaphore_mem>>) src(%arg4 : memref<12800xf32, #tpu.memory_space<hbm>>) dst(%arg14 : memref<12800xf32, #tpu.memory_space<vmem>>)
      tpu.yield
    }) : () -> ()
    %add3A_3 = arith.constant 0 : i32
    %add3A_4 = arith.addi %mul3A_2, %add3A_3 : i32
    %dma_start3A = tpu.memref_slice %arg3[%add3A_4] : memref<819200xi32, #tpu.memory_space<hbm>> -> memref<400xi32, #tpu.memory_space<hbm>>
    %dma_start3A_5 = tpu.memref_slice %arg3[%add3A_4] : memref<819200xi32, #tpu.memory_space<hbm>> -> memref<400xi32, #tpu.memory_space<hbm>>
    tpu.enqueue_dma source(%dma_start3A_5 : memref<400xi32, #tpu.memory_space<hbm>>) target(%arg6 : memref<400xi32, #tpu.memory_space<vmem>>) target_semaphore(%arg15 : memref<!tpu.dma_semaphore, #tpu.memory_space<semaphore_mem>>)
    %add3A_6 = arith.constant 400 : i32
    %add3A_7 = arith.addi %mul3A_2, %add3A_6 : i32
    %dma_start3A_8 = tpu.memref_slice %arg3[%add3A_7] : memref<819200xi32, #tpu.memory_space<hbm>> -> memref<400xi32, #tpu.memory_space<hbm>>
    %dma_start3A_9 = tpu.memref_slice %arg3[%add3A_7] : memref<819200xi32, #tpu.memory_space<hbm>> -> memref<400xi32, #tpu.memory_space<hbm>>
    tpu.enqueue_dma source(%dma_start3A_9 : memref<400xi32, #tpu.memory_space<hbm>>) target(%arg7 : memref<400xi32, #tpu.memory_space<vmem>>) target_semaphore(%arg16 : memref<!tpu.dma_semaphore, #tpu.memory_space<semaphore_mem>>)
    %add3A_10 = arith.constant 800 : i32
    %add3A_11 = arith.addi %mul3A_2, %add3A_10 : i32
    %dma_start3A_12 = tpu.memref_slice %arg3[%add3A_11] : memref<819200xi32, #tpu.memory_space<hbm>> -> memref<400xi32, #tpu.memory_space<hbm>>
    %dma_start3A_13 = tpu.memref_slice %arg3[%add3A_11] : memref<819200xi32, #tpu.memory_space<hbm>> -> memref<400xi32, #tpu.memory_space<hbm>>
    tpu.enqueue_dma source(%dma_start3A_13 : memref<400xi32, #tpu.memory_space<hbm>>) target(%arg8 : memref<400xi32, #tpu.memory_space<vmem>>) target_semaphore(%arg17 : memref<!tpu.dma_semaphore, #tpu.memory_space<semaphore_mem>>)
    %add3A_14 = arith.constant 1200 : i32
    %add3A_15 = arith.addi %mul3A_2, %add3A_14 : i32
    %dma_start3A_16 = tpu.memref_slice %arg3[%add3A_15] : memref<819200xi32, #tpu.memory_space<hbm>> -> memref<400xi32, #tpu.memory_space<hbm>>
    %dma_start3A_17 = tpu.memref_slice %arg3[%add3A_15] : memref<819200xi32, #tpu.memory_space<hbm>> -> memref<400xi32, #tpu.memory_space<hbm>>
    tpu.enqueue_dma source(%dma_start3A_17 : memref<400xi32, #tpu.memory_space<hbm>>) target(%arg9 : memref<400xi32, #tpu.memory_space<vmem>>) target_semaphore(%arg18 : memref<!tpu.dma_semaphore, #tpu.memory_space<semaphore_mem>>)
    %dma_wait3A = arith.constant 0 : i32
    %dma_wait3A_18 = tpu.memref_slice %arg3[%dma_wait3A] : memref<819200xi32, #tpu.memory_space<hbm>> -> memref<400xi32, #tpu.memory_space<hbm>>
    %dma_wait3A_19 = arith.constant 0 : i32
    %dma_wait3A_20 = tpu.memref_slice %arg3[%dma_wait3A_19] : memref<819200xi32, #tpu.memory_space<hbm>> -> memref<400xi32, #tpu.memory_space<hbm>>
    tpu.wait_dma2 semaphore(%arg15 : memref<!tpu.dma_semaphore, #tpu.memory_space<semaphore_mem>>) src(%dma_wait3A_20 : memref<400xi32, #tpu.memory_space<hbm>>) dst(%arg6 : memref<400xi32, #tpu.memory_space<vmem>>)
    %scan3A = arith.constant 0 : i32
    %scan3A_21 = arith.constant 25 : i32
    %scan3A_22 = arith.addi %scan3A, %scan3A_21 : i32
    %scan3A_23 = arith.constant 1 : i32
    scf.for %scan3A_51 = %scan3A to %scan3A_22 step %scan3A_23  : i32 {
      %mul3A_52 = arith.constant 1 : i32
      %mul3A_53 = arith.muli %scan3A_51, %mul3A_52 : i32
      %add3A_54 = arith.constant 0 : i32
      %add3A_55 = arith.addi %add3A_54, %mul3A_53 : i32
      %mul3A_56 = arith.constant 16 : i32
      %mul3A_57 = arith.muli %add3A_55, %mul3A_56 : i32
      %get3A = arith.index_cast %mul3A_57 : i32 to index
      %get3A_58 = tpu.vector_load %arg6[%get3A] {strides = array<i32>} : memref<400xi32, #tpu.memory_space<vmem>>, vector<16xi32>,
      %get3A_59 = vector.shape_cast %get3A_58 : vector<16xi32> to vector<16xi32>
      %dma_start3A_60 = arith.constant 0 : i32
      %dma_start3A_61 = tpu.memref_slice %arg10[%mul3A_57, %dma_start3A_60] : memref<400x64xf32, #tpu.memory_space<vmem>> -> memref<16x64xf32, #tpu.memory_space<vmem>>
      %dma_start3A_62 = arith.constant 0 : i32
      %dma_start3A_63 = arith.constant 0 : i32
      %dma_start3A_64 = tpu.memref_slice %arg2[%dma_start3A_62, %dma_start3A_63] : memref<1000000x64xf32, #tpu.memory_space<hbm>> -> memref<1000000x64xf32, #tpu.memory_space<hbm>>
      tpu.enqueue_indirect_dma source(%dma_start3A_64 : memref<1000000x64xf32, #tpu.memory_space<hbm>>) target(%dma_start3A_61 : memref<16x64xf32, #tpu.memory_space<vmem>>) offsets(%get3A_59 : vector<16xi32>) semaphore(%arg19 : memref<!tpu.dma_semaphore, #tpu.memory_space<semaphore_mem>>)
    }
    %scan3A_24 = arith.constant 25 : i32
    %dma_wait3A_25 = arith.constant 0 : i32
    %dma_wait3A_26 = tpu.memref_slice %arg3[%dma_wait3A_25] : memref<819200xi32, #tpu.memory_space<hbm>> -> memref<400xi32, #tpu.memory_space<hbm>>
    %dma_wait3A_27 = arith.constant 0 : i32
    %dma_wait3A_28 = tpu.memref_slice %arg3[%dma_wait3A_27] : memref<819200xi32, #tpu.memory_space<hbm>> -> memref<400xi32, #tpu.memory_space<hbm>>
    tpu.wait_dma2 semaphore(%arg16 : memref<!tpu.dma_semaphore, #tpu.memory_space<semaphore_mem>>) src(%dma_wait3A_28 : memref<400xi32, #tpu.memory_space<hbm>>) dst(%arg7 : memref<400xi32, #tpu.memory_space<vmem>>)
    %scan3A_29 = arith.constant 0 : i32
    %scan3A_30 = arith.constant 25 : i32
    %scan3A_31 = arith.addi %scan3A_29, %scan3A_30 : i32
    %scan3A_32 = arith.constant 1 : i32
    scf.for %scan3A_51 = %scan3A_29 to %scan3A_31 step %scan3A_32  : i32 {
      %mul3A_52 = arith.constant 1 : i32
      %mul3A_53 = arith.muli %scan3A_51, %mul3A_52 : i32
      %add3A_54 = arith.constant 0 : i32
      %add3A_55 = arith.addi %add3A_54, %mul3A_53 : i32
      %mul3A_56 = arith.constant 16 : i32
      %mul3A_57 = arith.muli %add3A_55, %mul3A_56 : i32
      %get3A = arith.index_cast %mul3A_57 : i32 to index
      %get3A_58 = tpu.vector_load %arg7[%get3A] {strides = array<i32>} : memref<400xi32, #tpu.memory_space<vmem>>, vector<16xi32>,
      %get3A_59 = vector.shape_cast %get3A_58 : vector<16xi32> to vector<16xi32>
      %dma_start3A_60 = arith.constant 0 : i32
      %dma_start3A_61 = tpu.memref_slice %arg11[%mul3A_57, %dma_start3A_60] : memref<400x64xf32, #tpu.memory_space<vmem>> -> memref<16x64xf32, #tpu.memory_space<vmem>>
      %dma_start3A_62 = arith.constant 0 : i32
      %dma_start3A_63 = arith.constant 0 : i32
      %dma_start3A_64 = tpu.memref_slice %arg2[%dma_start3A_62, %dma_start3A_63] : memref<1000000x64xf32, #tpu.memory_space<hbm>> -> memref<1000000x64xf32, #tpu.memory_space<hbm>>
      tpu.enqueue_indirect_dma source(%dma_start3A_64 : memref<1000000x64xf32, #tpu.memory_space<hbm>>) target(%dma_start3A_61 : memref<16x64xf32, #tpu.memory_space<vmem>>) offsets(%get3A_59 : vector<16xi32>) semaphore(%arg20 : memref<!tpu.dma_semaphore, #tpu.memory_space<semaphore_mem>>)
    }
    %scan3A_33 = arith.constant 25 : i32
    %scan3A_34 = arith.constant 0 : i32
    %scan3A_35 = arith.constant 16 : i32
    %scan3A_36 = arith.addi %scan3A_34, %scan3A_35 : i32
    %scan3A_37 = arith.constant 1 : i32
    scf.for %scan3A_51 = %scan3A_34 to %scan3A_36 step %scan3A_37  : i32 {
      %mul3A_52 = arith.constant 1 : i32
      %mul3A_53 = arith.muli %scan3A_51, %mul3A_52 : i32
      %add3A_54 = arith.constant 0 : i32
      %add3A_55 = arith.addi %add3A_54, %mul3A_53 : i32
      %mul3A_56 = arith.constant 4 : i32
      %mul3A_57 = arith.muli %add3A_55, %mul3A_56 : i32
      %add3A_58 = arith.constant 0 : i32
      %add3A_59 = arith.addi %mul3A_57, %add3A_58 : i32
      %scan3A_60 = arith.constant 0 : i32
      %scan3A_61 = arith.constant 25 : i32
      %scan3A_62 = arith.addi %scan3A_60, %scan3A_61 : i32
      %scan3A_63 = arith.constant 1 : i32
      scf.for %scan3A_206 = %scan3A_60 to %scan3A_62 step %scan3A_63  : i32 {
        %mul3A_207 = arith.constant 1 : i32
        %mul3A_208 = arith.muli %scan3A_206, %mul3A_207 : i32
        %add3A_209 = arith.constant 0 : i32
        %add3A_210 = arith.addi %add3A_209, %mul3A_208 : i32
        %get3A = arith.constant 0 : index
        %get3A_211 = tpu.vector_load %arg6[%get3A] {strides = array<i32>} : memref<400xi32, #tpu.memory_space<vmem>>, vector<16xi32>,
        %get3A_212 = vector.shape_cast %get3A_211 : vector<16xi32> to vector<16xi32>
        %dma_wait3A_213 = arith.constant 0 : i32
        %dma_wait3A_214 = arith.constant 0 : i32
        %dma_wait3A_215 = tpu.memref_slice %arg10[%dma_wait3A_213, %dma_wait3A_214] : memref<400x64xf32, #tpu.memory_space<vmem>> -> memref<16x64xf32, #tpu.memory_space<vmem>>
        %dma_wait3A_216 = arith.constant 0 : i32
        %dma_wait3A_217 = arith.constant 0 : i32
        %dma_wait3A_218 = tpu.memref_slice %arg2[%dma_wait3A_216, %dma_wait3A_217] : memref<1000000x64xf32, #tpu.memory_space<hbm>> -> memref<1000000x64xf32, #tpu.memory_space<hbm>>
        tpu.wait_indirect_dma semaphore(%arg19 : memref<!tpu.dma_semaphore, #tpu.memory_space<semaphore_mem>>) src(%dma_wait3A_218 : memref<1000000x64xf32, #tpu.memory_space<hbm>>) dst(%dma_wait3A_215 : memref<16x64xf32, #tpu.memory_space<vmem>>)
      }
      %scan3A_64 = arith.constant 25 : i32
      %lt3A = arith.constant 15 : i32
      %lt3A_65 = arith.cmpi slt, %add3A_55, %lt3A : i32
      %convert_element_type3A = arith.extui %lt3A_65 : i1 to i32
      %cond3A = arith.constant 0 : i32
      %cond3A_66 = arith.cmpi ne, %convert_element_type3A, %cond3A : i32
      scf.if %cond3A_66 {
        %add3A_206 = arith.constant 4 : i32
        %add3A_207 = arith.addi %add3A_59, %add3A_206 : i32
        %mul3A_208 = arith.constant 400 : i32
        %mul3A_209 = arith.muli %add3A_207, %mul3A_208 : i32
        %add3A_210 = arith.addi %mul3A_2, %mul3A_209 : i32
        %dma_start3A_211 = tpu.memref_slice %arg3[%add3A_210] : memref<819200xi32, #tpu.memory_space<hbm>> -> memref<400xi32, #tpu.memory_space<hbm>>
        %dma_start3A_212 = tpu.memref_slice %arg3[%add3A_210] : memref<819200xi32, #tpu.memory_space<hbm>> -> memref<400xi32, #tpu.memory_space<hbm>>
        tpu.enqueue_dma source(%dma_start3A_212 : memref<400xi32, #tpu.memory_space<hbm>>) target(%arg6 : memref<400xi32, #tpu.memory_space<vmem>>) target_semaphore(%arg15 : memref<!tpu.dma_semaphore, #tpu.memory_space<semaphore_mem>>)
      } else {
      }
      %scan3A_67 = arith.constant 0 : i32
      %scan3A_68 = arith.constant 200 : i32
      %scan3A_69 = arith.addi %scan3A_67, %scan3A_68 : i32
      %scan3A_70 = arith.constant 1 : i32
      scf.for %scan3A_206 = %scan3A_67 to %scan3A_69 step %scan3A_70  : i32 {
        %mul3A_207 = arith.constant 1 : i32
        %mul3A_208 = arith.muli %scan3A_206, %mul3A_207 : i32
        %add3A_209 = arith.constant 0 : i32
        %add3A_210 = arith.addi %add3A_209, %mul3A_208 : i32
        %mul3A_211 = arith.constant 64 : i32
        %mul3A_212 = arith.muli %add3A_210, %mul3A_211 : i32
        %add3A_213 = arith.constant 0 : i32
        %add3A_214 = arith.addi %mul3A_212, %add3A_213 : i32
        %get3A = arith.index_cast %add3A_214 : i32 to index
        %get3A_215 = tpu.vector_load %arg14[%get3A] {strides = array<i32>} : memref<12800xf32, #tpu.memory_space<vmem>>, vector<16xf32>,
        %get3A_216 = vector.shape_cast %get3A_215 : vector<16xf32> to vector<16xf32>
        %add3A_217 = arith.constant 0 : i32
        %add3A_218 = arith.addi %add3A_217, %add3A_210 : i32
        %swap3A = arith.index_cast %add3A_218 : i32 to index
        %swap3A_219 = arith.constant 0 : index
        %swap3A_220 = tpu.vector_load %arg10[%swap3A, %swap3A_219] {strides = array<i32>} : memref<400x64xf32, #tpu.memory_space<vmem>>, vector<1x16xf32>,
        %swap3A_221 = vector.shape_cast %swap3A_220 : vector<1x16xf32> to vector<16xf32>
        %swap3A_222 = vector.shape_cast %get3A_216 : vector<16xf32> to vector<1x16xf32>
        tpu.vector_store %arg10[%swap3A, %swap3A_219], %swap3A_222 {add = true, strides = array<i32>} : memref<400x64xf32, #tpu.memory_space<vmem>>, vector<1x16xf32>,
        %add3A_223 = arith.constant 200 : i32
        %add3A_224 = arith.addi %add3A_223, %add3A_210 : i32
        %swap3A_225 = arith.index_cast %add3A_224 : i32 to index
        %swap3A_226 = arith.constant 0 : index
        %swap3A_227 = tpu.vector_load %arg10[%swap3A_225, %swap3A_226] {strides = array<i32>} : memref<400x64xf32, #tpu.memory_space<vmem>>, vector<1x16xf32>,
        %swap3A_228 = vector.shape_cast %swap3A_227 : vector<1x16xf32> to vector<16xf32>
        %swap3A_229 = vector.shape_cast %get3A_216 : vector<16xf32> to vector<1x16xf32>
        tpu.vector_store %arg10[%swap3A_225, %swap3A_226], %swap3A_229 {add = true, strides = array<i32>} : memref<400x64xf32, #tpu.memory_space<vmem>>, vector<1x16xf32>,
        %mul3A_230 = arith.constant 64 : i32
        %mul3A_231 = arith.muli %add3A_210, %mul3A_230 : i32
        %add3A_232 = arith.constant 16 : i32
        %add3A_233 = arith.addi %mul3A_231, %add3A_232 : i32
        %get3A_234 = arith.index_cast %add3A_233 : i32 to index
        %get3A_235 = tpu.vector_load %arg14[%get3A_234] {strides = array<i32>} : memref<12800xf32, #tpu.memory_space<vmem>>, vector<16xf32>,
        %get3A_236 = vector.shape_cast %get3A_235 : vector<16xf32> to vector<16xf32>
        %add3A_237 = arith.constant 0 : i32
        %add3A_238 = arith.addi %add3A_237, %add3A_210 : i32
        %swap3A_239 = arith.index_cast %add3A_238 : i32 to index
        %swap3A_240 = arith.constant 16 : index
        %swap3A_241 = tpu.vector_load %arg10[%swap3A_239, %swap3A_240] {strides = array<i32>} : memref<400x64xf32, #tpu.memory_space<vmem>>, vector<1x16xf32>,
        %swap3A_242 = vector.shape_cast %swap3A_241 : vector<1x16xf32> to vector<16xf32>
        %swap3A_243 = vector.shape_cast %get3A_236 : vector<16xf32> to vector<1x16xf32>
        tpu.vector_store %arg10[%swap3A_239, %swap3A_240], %swap3A_243 {add = true, strides = array<i32>} : memref<400x64xf32, #tpu.memory_space<vmem>>, vector<1x16xf32>,
        %add3A_244 = arith.constant 200 : i32
        %add3A_245 = arith.addi %add3A_244, %add3A_210 : i32
        %swap3A_246 = arith.index_cast %add3A_245 : i32 to index
        %swap3A_247 = arith.constant 16 : index
        %swap3A_248 = tpu.vector_load %arg10[%swap3A_246, %swap3A_247] {strides = array<i32>} : memref<400x64xf32, #tpu.memory_space<vmem>>, vector<1x16xf32>,
        %swap3A_249 = vector.shape_cast %swap3A_248 : vector<1x16xf32> to vector<16xf32>
        %swap3A_250 = vector.shape_cast %get3A_236 : vector<16xf32> to vector<1x16xf32>
        tpu.vector_store %arg10[%swap3A_246, %swap3A_247], %swap3A_250 {add = true, strides = array<i32>} : memref<400x64xf32, #tpu.memory_space<vmem>>, vector<1x16xf32>,
        %mul3A_251 = arith.constant 64 : i32
        %mul3A_252 = arith.muli %add3A_210, %mul3A_251 : i32
        %add3A_253 = arith.constant 32 : i32
        %add3A_254 = arith.addi %mul3A_252, %add3A_253 : i32
        %get3A_255 = arith.index_cast %add3A_254 : i32 to index
        %get3A_256 = tpu.vector_load %arg14[%get3A_255] {strides = array<i32>} : memref<12800xf32, #tpu.memory_space<vmem>>, vector<16xf32>,
        %get3A_257 = vector.shape_cast %get3A_256 : vector<16xf32> to vector<16xf32>
        %add3A_258 = arith.constant 0 : i32
        %add3A_259 = arith.addi %add3A_258, %add3A_210 : i32
        %swap3A_260 = arith.index_cast %add3A_259 : i32 to index
        %swap3A_261 = arith.constant 32 : index
        %swap3A_262 = tpu.vector_load %arg10[%swap3A_260, %swap3A_261] {strides = array<i32>} : memref<400x64xf32, #tpu.memory_space<vmem>>, vector<1x16xf32>,
        %swap3A_263 = vector.shape_cast %swap3A_262 : vector<1x16xf32> to vector<16xf32>
        %swap3A_264 = vector.shape_cast %get3A_257 : vector<16xf32> to vector<1x16xf32>
        tpu.vector_store %arg10[%swap3A_260, %swap3A_261], %swap3A_264 {add = true, strides = array<i32>} : memref<400x64xf32, #tpu.memory_space<vmem>>, vector<1x16xf32>,
        %add3A_265 = arith.constant 200 : i32
        %add3A_266 = arith.addi %add3A_265, %add3A_210 : i32
        %swap3A_267 = arith.index_cast %add3A_266 : i32 to index
        %swap3A_268 = arith.constant 32 : index
        %swap3A_269 = tpu.vector_load %arg10[%swap3A_267, %swap3A_268] {strides = array<i32>} : memref<400x64xf32, #tpu.memory_space<vmem>>, vector<1x16xf32>,
        %swap3A_270 = vector.shape_cast %swap3A_269 : vector<1x16xf32> to vector<16xf32>
        %swap3A_271 = vector.shape_cast %get3A_257 : vector<16xf32> to vector<1x16xf32>
        tpu.vector_store %arg10[%swap3A_267, %swap3A_268], %swap3A_271 {add = true, strides = array<i32>} : memref<400x64xf32, #tpu.memory_space<vmem>>, vector<1x16xf32>,
        %mul3A_272 = arith.constant 64 : i32
        %mul3A_273 = arith.muli %add3A_210, %mul3A_272 : i32
        %add3A_274 = arith.constant 48 : i32
        %add3A_275 = arith.addi %mul3A_273, %add3A_274 : i32
        %get3A_276 = arith.index_cast %add3A_275 : i32 to index
        %get3A_277 = tpu.vector_load %arg14[%get3A_276] {strides = array<i32>} : memref<12800xf32, #tpu.memory_space<vmem>>, vector<16xf32>,
        %get3A_278 = vector.shape_cast %get3A_277 : vector<16xf32> to vector<16xf32>
        %add3A_279 = arith.constant 0 : i32
        %add3A_280 = arith.addi %add3A_279, %add3A_210 : i32
        %swap3A_281 = arith.index_cast %add3A_280 : i32 to index
        %swap3A_282 = arith.constant 48 : index
        %swap3A_283 = tpu.vector_load %arg10[%swap3A_281, %swap3A_282] {strides = array<i32>} : memref<400x64xf32, #tpu.memory_space<vmem>>, vector<1x16xf32>,
        %swap3A_284 = vector.shape_cast %swap3A_283 : vector<1x16xf32> to vector<16xf32>
        %swap3A_285 = vector.shape_cast %get3A_278 : vector<16xf32> to vector<1x16xf32>
        tpu.vector_store %arg10[%swap3A_281, %swap3A_282], %swap3A_285 {add = true, strides = array<i32>} : memref<400x64xf32, #tpu.memory_space<vmem>>, vector<1x16xf32>,
        %add3A_286 = arith.constant 200 : i32
        %add3A_287 = arith.addi %add3A_286, %add3A_210 : i32
        %swap3A_288 = arith.index_cast %add3A_287 : i32 to index
        %swap3A_289 = arith.constant 48 : index
        %swap3A_290 = tpu.vector_load %arg10[%swap3A_288, %swap3A_289] {strides = array<i32>} : memref<400x64xf32, #tpu.memory_space<vmem>>, vector<1x16xf32>,
        %swap3A_291 = vector.shape_cast %swap3A_290 : vector<1x16xf32> to vector<16xf32>
        %swap3A_292 = vector.shape_cast %get3A_278 : vector<16xf32> to vector<1x16xf32>
        tpu.vector_store %arg10[%swap3A_288, %swap3A_289], %swap3A_292 {add = true, strides = array<i32>} : memref<400x64xf32, #tpu.memory_space<vmem>>, vector<1x16xf32>,
      }
      %scan3A_71 = arith.constant 200 : i32
      %mul3A_72 = arith.constant 400 : i32
      %mul3A_73 = arith.muli %add3A_59, %mul3A_72 : i32
      %add3A_74 = arith.addi %mul3A_2, %mul3A_73 : i32
      %dma_start3A_75 = arith.constant 0 : i32
      %dma_start3A_76 = tpu.memref_slice %arg5[%add3A_74, %dma_start3A_75] : memref<819200x64xf32, #tpu.memory_space<hbm>> -> memref<400x64xf32, #tpu.memory_space<hbm>>
      %dma_start3A_77 = arith.constant 0 : i32
      %dma_start3A_78 = tpu.memref_slice %arg5[%add3A_74, %dma_start3A_77] : memref<819200x64xf32, #tpu.memory_space<hbm>> -> memref<400x64xf32, #tpu.memory_space<hbm>>
      tpu.enqueue_dma source(%arg10 : memref<400x64xf32, #tpu.memory_space<vmem>>) target(%dma_start3A_78 : memref<400x64xf32, #tpu.memory_space<hbm>>) target_semaphore(%arg23 : memref<!tpu.dma_semaphore, #tpu.memory_space<semaphore_mem>>)
      %ge3A = arith.constant 1 : i32
      %ge3A_79 = arith.cmpi sge, %add3A_55, %ge3A : i32
      %convert_element_type3A_80 = arith.extui %ge3A_79 : i1 to i32
      %cond3A_81 = arith.constant 0 : i32
      %cond3A_82 = arith.cmpi ne, %convert_element_type3A_80, %cond3A_81 : i32
      scf.if %cond3A_82 {
        %dma_wait3A_206 = arith.constant 0 : i32
        %dma_wait3A_207 = arith.constant 0 : i32
        %dma_wait3A_208 = tpu.memref_slice %arg5[%dma_wait3A_206, %dma_wait3A_207] : memref<819200x64xf32, #tpu.memory_space<hbm>> -> memref<400x64xf32, #tpu.memory_space<hbm>>
        %dma_wait3A_209 = arith.constant 0 : i32
        %dma_wait3A_210 = arith.constant 0 : i32
        %dma_wait3A_211 = tpu.memref_slice %arg5[%dma_wait3A_209, %dma_wait3A_210] : memref<819200x64xf32, #tpu.memory_space<hbm>> -> memref<400x64xf32, #tpu.memory_space<hbm>>
        tpu.wait_dma2 semaphore(%arg25 : memref<!tpu.dma_semaphore, #tpu.memory_space<semaphore_mem>>) src(%arg12 : memref<400x64xf32, #tpu.memory_space<vmem>>) dst(%dma_wait3A_211 : memref<400x64xf32, #tpu.memory_space<hbm>>)
      } else {
      }
      %dma_wait3A_83 = arith.constant 0 : i32
      %dma_wait3A_84 = tpu.memref_slice %arg3[%dma_wait3A_83] : memref<819200xi32, #tpu.memory_space<hbm>> -> memref<400xi32, #tpu.memory_space<hbm>>
      %dma_wait3A_85 = arith.constant 0 : i32
      %dma_wait3A_86 = tpu.memref_slice %arg3[%dma_wait3A_85] : memref<819200xi32, #tpu.memory_space<hbm>> -> memref<400xi32, #tpu.memory_space<hbm>>
      tpu.wait_dma2 semaphore(%arg17 : memref<!tpu.dma_semaphore, #tpu.memory_space<semaphore_mem>>) src(%dma_wait3A_86 : memref<400xi32, #tpu.memory_space<hbm>>) dst(%arg8 : memref<400xi32, #tpu.memory_space<vmem>>)
      %scan3A_87 = arith.constant 0 : i32
      %scan3A_88 = arith.constant 25 : i32
      %scan3A_89 = arith.addi %scan3A_87, %scan3A_88 : i32
      %scan3A_90 = arith.constant 1 : i32
      scf.for %scan3A_206 = %scan3A_87 to %scan3A_89 step %scan3A_90  : i32 {
        %mul3A_207 = arith.constant 1 : i32
        %mul3A_208 = arith.muli %scan3A_206, %mul3A_207 : i32
        %add3A_209 = arith.constant 0 : i32
        %add3A_210 = arith.addi %add3A_209, %mul3A_208 : i32
        %mul3A_211 = arith.constant 16 : i32
        %mul3A_212 = arith.muli %add3A_210, %mul3A_211 : i32
        %get3A = arith.index_cast %mul3A_212 : i32 to index
        %get3A_213 = tpu.vector_load %arg8[%get3A] {strides = array<i32>} : memref<400xi32, #tpu.memory_space<vmem>>, vector<16xi32>,
        %get3A_214 = vector.shape_cast %get3A_213 : vector<16xi32> to vector<16xi32>
        %dma_start3A_215 = arith.constant 0 : i32
        %dma_start3A_216 = tpu.memref_slice %arg12[%mul3A_212, %dma_start3A_215] : memref<400x64xf32, #tpu.memory_space<vmem>> -> memref<16x64xf32, #tpu.memory_space<vmem>>
        %dma_start3A_217 = arith.constant 0 : i32
        %dma_start3A_218 = arith.constant 0 : i32
        %dma_start3A_219 = tpu.memref_slice %arg2[%dma_start3A_217, %dma_start3A_218] : memref<1000000x64xf32, #tpu.memory_space<hbm>> -> memref<1000000x64xf32, #tpu.memory_space<hbm>>
        tpu.enqueue_indirect_dma source(%dma_start3A_219 : memref<1000000x64xf32, #tpu.memory_space<hbm>>) target(%dma_start3A_216 : memref<16x64xf32, #tpu.memory_space<vmem>>) offsets(%get3A_214 : vector<16xi32>) semaphore(%arg21 : memref<!tpu.dma_semaphore, #tpu.memory_space<semaphore_mem>>)
      }
      %scan3A_91 = arith.constant 25 : i32
      %mul3A_92 = arith.constant 4 : i32
      %mul3A_93 = arith.muli %add3A_55, %mul3A_92 : i32
      %add3A_94 = arith.constant 1 : i32
      %add3A_95 = arith.addi %mul3A_93, %add3A_94 : i32
      %scan3A_96 = arith.constant 0 : i32
      %scan3A_97 = arith.constant 25 : i32
      %scan3A_98 = arith.addi %scan3A_96, %scan3A_97 : i32
      %scan3A_99 = arith.constant 1 : i32
      scf.for %scan3A_206 = %scan3A_96 to %scan3A_98 step %scan3A_99  : i32 {
        %mul3A_207 = arith.constant 1 : i32
        %mul3A_208 = arith.muli %scan3A_206, %mul3A_207 : i32
        %add3A_209 = arith.constant 0 : i32
        %add3A_210 = arith.addi %add3A_209, %mul3A_208 : i32
        %get3A = arith.constant 0 : index
        %get3A_211 = tpu.vector_load %arg7[%get3A] {strides = array<i32>} : memref<400xi32, #tpu.memory_space<vmem>>, vector<16xi32>,
        %get3A_212 = vector.shape_cast %get3A_211 : vector<16xi32> to vector<16xi32>
        %dma_wait3A_213 = arith.constant 0 : i32
        %dma_wait3A_214 = arith.constant 0 : i32
        %dma_wait3A_215 = tpu.memref_slice %arg11[%dma_wait3A_213, %dma_wait3A_214] : memref<400x64xf32, #tpu.memory_space<vmem>> -> memref<16x64xf32, #tpu.memory_space<vmem>>
        %dma_wait3A_216 = arith.constant 0 : i32
        %dma_wait3A_217 = arith.constant 0 : i32
        %dma_wait3A_218 = tpu.memref_slice %arg2[%dma_wait3A_216, %dma_wait3A_217] : memref<1000000x64xf32, #tpu.memory_space<hbm>> -> memref<1000000x64xf32, #tpu.memory_space<hbm>>
        tpu.wait_indirect_dma semaphore(%arg20 : memref<!tpu.dma_semaphore, #tpu.memory_space<semaphore_mem>>) src(%dma_wait3A_218 : memref<1000000x64xf32, #tpu.memory_space<hbm>>) dst(%dma_wait3A_215 : memref<16x64xf32, #tpu.memory_space<vmem>>)
      }
      %scan3A_100 = arith.constant 25 : i32
      %lt3A_101 = arith.constant 15 : i32
      %lt3A_102 = arith.cmpi slt, %add3A_55, %lt3A_101 : i32
      %convert_element_type3A_103 = arith.extui %lt3A_102 : i1 to i32
      %cond3A_104 = arith.constant 0 : i32
      %cond3A_105 = arith.cmpi ne, %convert_element_type3A_103, %cond3A_104 : i32
      scf.if %cond3A_105 {
        %add3A_206 = arith.constant 4 : i32
        %add3A_207 = arith.addi %add3A_95, %add3A_206 : i32
        %mul3A_208 = arith.constant 400 : i32
        %mul3A_209 = arith.muli %add3A_207, %mul3A_208 : i32
        %add3A_210 = arith.addi %mul3A_2, %mul3A_209 : i32
        %dma_start3A_211 = tpu.memref_slice %arg3[%add3A_210] : memref<819200xi32, #tpu.memory_space<hbm>> -> memref<400xi32, #tpu.memory_space<hbm>>
        %dma_start3A_212 = tpu.memref_slice %arg3[%add3A_210] : memref<819200xi32, #tpu.memory_space<hbm>> -> memref<400xi32, #tpu.memory_space<hbm>>
        tpu.enqueue_dma source(%dma_start3A_212 : memref<400xi32, #tpu.memory_space<hbm>>) target(%arg7 : memref<400xi32, #tpu.memory_space<vmem>>) target_semaphore(%arg16 : memref<!tpu.dma_semaphore, #tpu.memory_space<semaphore_mem>>)
      } else {
      }
      %scan3A_106 = arith.constant 0 : i32
      %scan3A_107 = arith.constant 200 : i32
      %scan3A_108 = arith.addi %scan3A_106, %scan3A_107 : i32
      %scan3A_109 = arith.constant 1 : i32
      scf.for %scan3A_206 = %scan3A_106 to %scan3A_108 step %scan3A_109  : i32 {
        %mul3A_207 = arith.constant 1 : i32
        %mul3A_208 = arith.muli %scan3A_206, %mul3A_207 : i32
        %add3A_209 = arith.constant 0 : i32
        %add3A_210 = arith.addi %add3A_209, %mul3A_208 : i32
        %mul3A_211 = arith.constant 64 : i32
        %mul3A_212 = arith.muli %add3A_210, %mul3A_211 : i32
        %add3A_213 = arith.constant 0 : i32
        %add3A_214 = arith.addi %mul3A_212, %add3A_213 : i32
        %get3A = arith.index_cast %add3A_214 : i32 to index
        %get3A_215 = tpu.vector_load %arg14[%get3A] {strides = array<i32>} : memref<12800xf32, #tpu.memory_space<vmem>>, vector<16xf32>,
        %get3A_216 = vector.shape_cast %get3A_215 : vector<16xf32> to vector<16xf32>
        %add3A_217 = arith.constant 0 : i32
        %add3A_218 = arith.addi %add3A_217, %add3A_210 : i32
        %swap3A = arith.index_cast %add3A_218 : i32 to index
        %swap3A_219 = arith.constant 0 : index
        %swap3A_220 = tpu.vector_load %arg11[%swap3A, %swap3A_219] {strides = array<i32>} : memref<400x64xf32, #tpu.memory_space<vmem>>, vector<1x16xf32>,
        %swap3A_221 = vector.shape_cast %swap3A_220 : vector<1x16xf32> to vector<16xf32>
        %swap3A_222 = vector.shape_cast %get3A_216 : vector<16xf32> to vector<1x16xf32>
        tpu.vector_store %arg11[%swap3A, %swap3A_219], %swap3A_222 {add = true, strides = array<i32>} : memref<400x64xf32, #tpu.memory_space<vmem>>, vector<1x16xf32>,
        %add3A_223 = arith.constant 200 : i32
        %add3A_224 = arith.addi %add3A_223, %add3A_210 : i32
        %swap3A_225 = arith.index_cast %add3A_224 : i32 to index
        %swap3A_226 = arith.constant 0 : index
        %swap3A_227 = tpu.vector_load %arg11[%swap3A_225, %swap3A_226] {strides = array<i32>} : memref<400x64xf32, #tpu.memory_space<vmem>>, vector<1x16xf32>,
        %swap3A_228 = vector.shape_cast %swap3A_227 : vector<1x16xf32> to vector<16xf32>
        %swap3A_229 = vector.shape_cast %get3A_216 : vector<16xf32> to vector<1x16xf32>
        tpu.vector_store %arg11[%swap3A_225, %swap3A_226], %swap3A_229 {add = true, strides = array<i32>} : memref<400x64xf32, #tpu.memory_space<vmem>>, vector<1x16xf32>,
        %mul3A_230 = arith.constant 64 : i32
        %mul3A_231 = arith.muli %add3A_210, %mul3A_230 : i32
        %add3A_232 = arith.constant 16 : i32
        %add3A_233 = arith.addi %mul3A_231, %add3A_232 : i32
        %get3A_234 = arith.index_cast %add3A_233 : i32 to index
        %get3A_235 = tpu.vector_load %arg14[%get3A_234] {strides = array<i32>} : memref<12800xf32, #tpu.memory_space<vmem>>, vector<16xf32>,
        %get3A_236 = vector.shape_cast %get3A_235 : vector<16xf32> to vector<16xf32>
        %add3A_237 = arith.constant 0 : i32
        %add3A_238 = arith.addi %add3A_237, %add3A_210 : i32
        %swap3A_239 = arith.index_cast %add3A_238 : i32 to index
        %swap3A_240 = arith.constant 16 : index
        %swap3A_241 = tpu.vector_load %arg11[%swap3A_239, %swap3A_240] {strides = array<i32>} : memref<400x64xf32, #tpu.memory_space<vmem>>, vector<1x16xf32>,
        %swap3A_242 = vector.shape_cast %swap3A_241 : vector<1x16xf32> to vector<16xf32>
        %swap3A_243 = vector.shape_cast %get3A_236 : vector<16xf32> to vector<1x16xf32>
        tpu.vector_store %arg11[%swap3A_239, %swap3A_240], %swap3A_243 {add = true, strides = array<i32>} : memref<400x64xf32, #tpu.memory_space<vmem>>, vector<1x16xf32>,
        %add3A_244 = arith.constant 200 : i32
        %add3A_245 = arith.addi %add3A_244, %add3A_210 : i32
        %swap3A_246 = arith.index_cast %add3A_245 : i32 to index
        %swap3A_247 = arith.constant 16 : index
        %swap3A_248 = tpu.vector_load %arg11[%swap3A_246, %swap3A_247] {strides = array<i32>} : memref<400x64xf32, #tpu.memory_space<vmem>>, vector<1x16xf32>,
        %swap3A_249 = vector.shape_cast %swap3A_248 : vector<1x16xf32> to vector<16xf32>
        %swap3A_250 = vector.shape_cast %get3A_236 : vector<16xf32> to vector<1x16xf32>
        tpu.vector_store %arg11[%swap3A_246, %swap3A_247], %swap3A_250 {add = true, strides = array<i32>} : memref<400x64xf32, #tpu.memory_space<vmem>>, vector<1x16xf32>,
        %mul3A_251 = arith.constant 64 : i32
        %mul3A_252 = arith.muli %add3A_210, %mul3A_251 : i32
        %add3A_253 = arith.constant 32 : i32
        %add3A_254 = arith.addi %mul3A_252, %add3A_253 : i32
        %get3A_255 = arith.index_cast %add3A_254 : i32 to index
        %get3A_256 = tpu.vector_load %arg14[%get3A_255] {strides = array<i32>} : memref<12800xf32, #tpu.memory_space<vmem>>, vector<16xf32>,
        %get3A_257 = vector.shape_cast %get3A_256 : vector<16xf32> to vector<16xf32>
        %add3A_258 = arith.constant 0 : i32
        %add3A_259 = arith.addi %add3A_258, %add3A_210 : i32
        %swap3A_260 = arith.index_cast %add3A_259 : i32 to index
        %swap3A_261 = arith.constant 32 : index
        %swap3A_262 = tpu.vector_load %arg11[%swap3A_260, %swap3A_261] {strides = array<i32>} : memref<400x64xf32, #tpu.memory_space<vmem>>, vector<1x16xf32>,
        %swap3A_263 = vector.shape_cast %swap3A_262 : vector<1x16xf32> to vector<16xf32>
        %swap3A_264 = vector.shape_cast %get3A_257 : vector<16xf32> to vector<1x16xf32>
        tpu.vector_store %arg11[%swap3A_260, %swap3A_261], %swap3A_264 {add = true, strides = array<i32>} : memref<400x64xf32, #tpu.memory_space<vmem>>, vector<1x16xf32>,
        %add3A_265 = arith.constant 200 : i32
        %add3A_266 = arith.addi %add3A_265, %add3A_210 : i32
        %swap3A_267 = arith.index_cast %add3A_266 : i32 to index
        %swap3A_268 = arith.constant 32 : index
        %swap3A_269 = tpu.vector_load %arg11[%swap3A_267, %swap3A_268] {strides = array<i32>} : memref<400x64xf32, #tpu.memory_space<vmem>>, vector<1x16xf32>,
        %swap3A_270 = vector.shape_cast %swap3A_269 : vector<1x16xf32> to vector<16xf32>
        %swap3A_271 = vector.shape_cast %get3A_257 : vector<16xf32> to vector<1x16xf32>
        tpu.vector_store %arg11[%swap3A_267, %swap3A_268], %swap3A_271 {add = true, strides = array<i32>} : memref<400x64xf32, #tpu.memory_space<vmem>>, vector<1x16xf32>,
        %mul3A_272 = arith.constant 64 : i32
        %mul3A_273 = arith.muli %add3A_210, %mul3A_272 : i32
        %add3A_274 = arith.constant 48 : i32
        %add3A_275 = arith.addi %mul3A_273, %add3A_274 : i32
        %get3A_276 = arith.index_cast %add3A_275 : i32 to index
        %get3A_277 = tpu.vector_load %arg14[%get3A_276] {strides = array<i32>} : memref<12800xf32, #tpu.memory_space<vmem>>, vector<16xf32>,
        %get3A_278 = vector.shape_cast %get3A_277 : vector<16xf32> to vector<16xf32>
        %add3A_279 = arith.constant 0 : i32
        %add3A_280 = arith.addi %add3A_279, %add3A_210 : i32
        %swap3A_281 = arith.index_cast %add3A_280 : i32 to index
        %swap3A_282 = arith.constant 48 : index
        %swap3A_283 = tpu.vector_load %arg11[%swap3A_281, %swap3A_282] {strides = array<i32>} : memref<400x64xf32, #tpu.memory_space<vmem>>, vector<1x16xf32>,
        %swap3A_284 = vector.shape_cast %swap3A_283 : vector<1x16xf32> to vector<16xf32>
        %swap3A_285 = vector.shape_cast %get3A_278 : vector<16xf32> to vector<1x16xf32>
        tpu.vector_store %arg11[%swap3A_281, %swap3A_282], %swap3A_285 {add = true, strides = array<i32>} : memref<400x64xf32, #tpu.memory_space<vmem>>, vector<1x16xf32>,
        %add3A_286 = arith.constant 200 : i32
        %add3A_287 = arith.addi %add3A_286, %add3A_210 : i32
        %swap3A_288 = arith.index_cast %add3A_287 : i32 to index
        %swap3A_289 = arith.constant 48 : index
        %swap3A_290 = tpu.vector_load %arg11[%swap3A_288, %swap3A_289] {strides = array<i32>} : memref<400x64xf32, #tpu.memory_space<vmem>>, vector<1x16xf32>,
        %swap3A_291 = vector.shape_cast %swap3A_290 : vector<1x16xf32> to vector<16xf32>
        %swap3A_292 = vector.shape_cast %get3A_278 : vector<16xf32> to vector<1x16xf32>
        tpu.vector_store %arg11[%swap3A_288, %swap3A_289], %swap3A_292 {add = true, strides = array<i32>} : memref<400x64xf32, #tpu.memory_space<vmem>>, vector<1x16xf32>,
      }
      %scan3A_110 = arith.constant 200 : i32
      %mul3A_111 = arith.constant 400 : i32
      %mul3A_112 = arith.muli %add3A_95, %mul3A_111 : i32
      %add3A_113 = arith.addi %mul3A_2, %mul3A_112 : i32
      %dma_start3A_114 = arith.constant 0 : i32
      %dma_start3A_115 = tpu.memref_slice %arg5[%add3A_113, %dma_start3A_114] : memref<819200x64xf32, #tpu.memory_space<hbm>> -> memref<400x64xf32, #tpu.memory_space<hbm>>
      %dma_start3A_116 = arith.constant 0 : i32
      %dma_start3A_117 = tpu.memref_slice %arg5[%add3A_113, %dma_start3A_116] : memref<819200x64xf32, #tpu.memory_space<hbm>> -> memref<400x64xf32, #tpu.memory_space<hbm>>
      tpu.enqueue_dma source(%arg11 : memref<400x64xf32, #tpu.memory_space<vmem>>) target(%dma_start3A_117 : memref<400x64xf32, #tpu.memory_space<hbm>>) target_semaphore(%arg24 : memref<!tpu.dma_semaphore, #tpu.memory_space<semaphore_mem>>)
      %ge3A_118 = arith.constant 1 : i32
      %ge3A_119 = arith.cmpi sge, %add3A_55, %ge3A_118 : i32
      %convert_element_type3A_120 = arith.extui %ge3A_119 : i1 to i32
      %cond3A_121 = arith.constant 0 : i32
      %cond3A_122 = arith.cmpi ne, %convert_element_type3A_120, %cond3A_121 : i32
      scf.if %cond3A_122 {
        %dma_wait3A_206 = arith.constant 0 : i32
        %dma_wait3A_207 = arith.constant 0 : i32
        %dma_wait3A_208 = tpu.memref_slice %arg5[%dma_wait3A_206, %dma_wait3A_207] : memref<819200x64xf32, #tpu.memory_space<hbm>> -> memref<400x64xf32, #tpu.memory_space<hbm>>
        %dma_wait3A_209 = arith.constant 0 : i32
        %dma_wait3A_210 = arith.constant 0 : i32
        %dma_wait3A_211 = tpu.memref_slice %arg5[%dma_wait3A_209, %dma_wait3A_210] : memref<819200x64xf32, #tpu.memory_space<hbm>> -> memref<400x64xf32, #tpu.memory_space<hbm>>
        tpu.wait_dma2 semaphore(%arg26 : memref<!tpu.dma_semaphore, #tpu.memory_space<semaphore_mem>>) src(%arg13 : memref<400x64xf32, #tpu.memory_space<vmem>>) dst(%dma_wait3A_211 : memref<400x64xf32, #tpu.memory_space<hbm>>)
      } else {
      }
      %dma_wait3A_123 = arith.constant 0 : i32
      %dma_wait3A_124 = tpu.memref_slice %arg3[%dma_wait3A_123] : memref<819200xi32, #tpu.memory_space<hbm>> -> memref<400xi32, #tpu.memory_space<hbm>>
      %dma_wait3A_125 = arith.constant 0 : i32
      %dma_wait3A_126 = tpu.memref_slice %arg3[%dma_wait3A_125] : memref<819200xi32, #tpu.memory_space<hbm>> -> memref<400xi32, #tpu.memory_space<hbm>>
      tpu.wait_dma2 semaphore(%arg18 : memref<!tpu.dma_semaphore, #tpu.memory_space<semaphore_mem>>) src(%dma_wait3A_126 : memref<400xi32, #tpu.memory_space<hbm>>) dst(%arg9 : memref<400xi32, #tpu.memory_space<vmem>>)
      %scan3A_127 = arith.constant 0 : i32
      %scan3A_128 = arith.constant 25 : i32
      %scan3A_129 = arith.addi %scan3A_127, %scan3A_128 : i32
      %scan3A_130 = arith.constant 1 : i32
      scf.for %scan3A_206 = %scan3A_127 to %scan3A_129 step %scan3A_130  : i32 {
        %mul3A_207 = arith.constant 1 : i32
        %mul3A_208 = arith.muli %scan3A_206, %mul3A_207 : i32
        %add3A_209 = arith.constant 0 : i32
        %add3A_210 = arith.addi %add3A_209, %mul3A_208 : i32
        %mul3A_211 = arith.constant 16 : i32
        %mul3A_212 = arith.muli %add3A_210, %mul3A_211 : i32
        %get3A = arith.index_cast %mul3A_212 : i32 to index
        %get3A_213 = tpu.vector_load %arg9[%get3A] {strides = array<i32>} : memref<400xi32, #tpu.memory_space<vmem>>, vector<16xi32>,
        %get3A_214 = vector.shape_cast %get3A_213 : vector<16xi32> to vector<16xi32>
        %dma_start3A_215 = arith.constant 0 : i32
        %dma_start3A_216 = tpu.memref_slice %arg13[%mul3A_212, %dma_start3A_215] : memref<400x64xf32, #tpu.memory_space<vmem>> -> memref<16x64xf32, #tpu.memory_space<vmem>>
        %dma_start3A_217 = arith.constant 0 : i32
        %dma_start3A_218 = arith.constant 0 : i32
        %dma_start3A_219 = tpu.memref_slice %arg2[%dma_start3A_217, %dma_start3A_218] : memref<1000000x64xf32, #tpu.memory_space<hbm>> -> memref<1000000x64xf32, #tpu.memory_space<hbm>>
        tpu.enqueue_indirect_dma source(%dma_start3A_219 : memref<1000000x64xf32, #tpu.memory_space<hbm>>) target(%dma_start3A_216 : memref<16x64xf32, #tpu.memory_space<vmem>>) offsets(%get3A_214 : vector<16xi32>) semaphore(%arg22 : memref<!tpu.dma_semaphore, #tpu.memory_space<semaphore_mem>>)
      }
      %scan3A_131 = arith.constant 25 : i32
      %mul3A_132 = arith.constant 4 : i32
      %mul3A_133 = arith.muli %add3A_55, %mul3A_132 : i32
      %add3A_134 = arith.constant 2 : i32
      %add3A_135 = arith.addi %mul3A_133, %add3A_134 : i32
      %scan3A_136 = arith.constant 0 : i32
      %scan3A_137 = arith.constant 25 : i32
      %scan3A_138 = arith.addi %scan3A_136, %scan3A_137 : i32
      %scan3A_139 = arith.constant 1 : i32
      scf.for %scan3A_206 = %scan3A_136 to %scan3A_138 step %scan3A_139  : i32 {
        %mul3A_207 = arith.constant 1 : i32
        %mul3A_208 = arith.muli %scan3A_206, %mul3A_207 : i32
        %add3A_209 = arith.constant 0 : i32
        %add3A_210 = arith.addi %add3A_209, %mul3A_208 : i32
        %get3A = arith.constant 0 : index
        %get3A_211 = tpu.vector_load %arg8[%get3A] {strides = array<i32>} : memref<400xi32, #tpu.memory_space<vmem>>, vector<16xi32>,
        %get3A_212 = vector.shape_cast %get3A_211 : vector<16xi32> to vector<16xi32>
        %dma_wait3A_213 = arith.constant 0 : i32
        %dma_wait3A_214 = arith.constant 0 : i32
        %dma_wait3A_215 = tpu.memref_slice %arg12[%dma_wait3A_213, %dma_wait3A_214] : memref<400x64xf32, #tpu.memory_space<vmem>> -> memref<16x64xf32, #tpu.memory_space<vmem>>
        %dma_wait3A_216 = arith.constant 0 : i32
        %dma_wait3A_217 = arith.constant 0 : i32
        %dma_wait3A_218 = tpu.memref_slice %arg2[%dma_wait3A_216, %dma_wait3A_217] : memref<1000000x64xf32, #tpu.memory_space<hbm>> -> memref<1000000x64xf32, #tpu.memory_space<hbm>>
        tpu.wait_indirect_dma semaphore(%arg21 : memref<!tpu.dma_semaphore, #tpu.memory_space<semaphore_mem>>) src(%dma_wait3A_218 : memref<1000000x64xf32, #tpu.memory_space<hbm>>) dst(%dma_wait3A_215 : memref<16x64xf32, #tpu.memory_space<vmem>>)
      }
      %scan3A_140 = arith.constant 25 : i32
      %lt3A_141 = arith.constant 15 : i32
      %lt3A_142 = arith.cmpi slt, %add3A_55, %lt3A_141 : i32
      %convert_element_type3A_143 = arith.extui %lt3A_142 : i1 to i32
      %cond3A_144 = arith.constant 0 : i32
      %cond3A_145 = arith.cmpi ne, %convert_element_type3A_143, %cond3A_144 : i32
      scf.if %cond3A_145 {
        %add3A_206 = arith.constant 4 : i32
        %add3A_207 = arith.addi %add3A_135, %add3A_206 : i32
        %mul3A_208 = arith.constant 400 : i32
        %mul3A_209 = arith.muli %add3A_207, %mul3A_208 : i32
        %add3A_210 = arith.addi %mul3A_2, %mul3A_209 : i32
        %dma_start3A_211 = tpu.memref_slice %arg3[%add3A_210] : memref<819200xi32, #tpu.memory_space<hbm>> -> memref<400xi32, #tpu.memory_space<hbm>>
        %dma_start3A_212 = tpu.memref_slice %arg3[%add3A_210] : memref<819200xi32, #tpu.memory_space<hbm>> -> memref<400xi32, #tpu.memory_space<hbm>>
        tpu.enqueue_dma source(%dma_start3A_212 : memref<400xi32, #tpu.memory_space<hbm>>) target(%arg8 : memref<400xi32, #tpu.memory_space<vmem>>) target_semaphore(%arg17 : memref<!tpu.dma_semaphore, #tpu.memory_space<semaphore_mem>>)
      } else {
      }
      %scan3A_146 = arith.constant 0 : i32
      %scan3A_147 = arith.constant 200 : i32
      %scan3A_148 = arith.addi %scan3A_146, %scan3A_147 : i32
      %scan3A_149 = arith.constant 1 : i32
      scf.for %scan3A_206 = %scan3A_146 to %scan3A_148 step %scan3A_149  : i32 {
        %mul3A_207 = arith.constant 1 : i32
        %mul3A_208 = arith.muli %scan3A_206, %mul3A_207 : i32
        %add3A_209 = arith.constant 0 : i32
        %add3A_210 = arith.addi %add3A_209, %mul3A_208 : i32
        %mul3A_211 = arith.constant 64 : i32
        %mul3A_212 = arith.muli %add3A_210, %mul3A_211 : i32
        %add3A_213 = arith.constant 0 : i32
        %add3A_214 = arith.addi %mul3A_212, %add3A_213 : i32
        %get3A = arith.index_cast %add3A_214 : i32 to index
        %get3A_215 = tpu.vector_load %arg14[%get3A] {strides = array<i32>} : memref<12800xf32, #tpu.memory_space<vmem>>, vector<16xf32>,
        %get3A_216 = vector.shape_cast %get3A_215 : vector<16xf32> to vector<16xf32>
        %add3A_217 = arith.constant 0 : i32
        %add3A_218 = arith.addi %add3A_217, %add3A_210 : i32
        %swap3A = arith.index_cast %add3A_218 : i32 to index
        %swap3A_219 = arith.constant 0 : index
        %swap3A_220 = tpu.vector_load %arg12[%swap3A, %swap3A_219] {strides = array<i32>} : memref<400x64xf32, #tpu.memory_space<vmem>>, vector<1x16xf32>,
        %swap3A_221 = vector.shape_cast %swap3A_220 : vector<1x16xf32> to vector<16xf32>
        %swap3A_222 = vector.shape_cast %get3A_216 : vector<16xf32> to vector<1x16xf32>
        tpu.vector_store %arg12[%swap3A, %swap3A_219], %swap3A_222 {add = true, strides = array<i32>} : memref<400x64xf32, #tpu.memory_space<vmem>>, vector<1x16xf32>,
        %add3A_223 = arith.constant 200 : i32
        %add3A_224 = arith.addi %add3A_223, %add3A_210 : i32
        %swap3A_225 = arith.index_cast %add3A_224 : i32 to index
        %swap3A_226 = arith.constant 0 : index
        %swap3A_227 = tpu.vector_load %arg12[%swap3A_225, %swap3A_226] {strides = array<i32>} : memref<400x64xf32, #tpu.memory_space<vmem>>, vector<1x16xf32>,
        %swap3A_228 = vector.shape_cast %swap3A_227 : vector<1x16xf32> to vector<16xf32>
        %swap3A_229 = vector.shape_cast %get3A_216 : vector<16xf32> to vector<1x16xf32>
        tpu.vector_store %arg12[%swap3A_225, %swap3A_226], %swap3A_229 {add = true, strides = array<i32>} : memref<400x64xf32, #tpu.memory_space<vmem>>, vector<1x16xf32>,
        %mul3A_230 = arith.constant 64 : i32
        %mul3A_231 = arith.muli %add3A_210, %mul3A_230 : i32
        %add3A_232 = arith.constant 16 : i32
        %add3A_233 = arith.addi %mul3A_231, %add3A_232 : i32
        %get3A_234 = arith.index_cast %add3A_233 : i32 to index
        %get3A_235 = tpu.vector_load %arg14[%get3A_234] {strides = array<i32>} : memref<12800xf32, #tpu.memory_space<vmem>>, vector<16xf32>,
        %get3A_236 = vector.shape_cast %get3A_235 : vector<16xf32> to vector<16xf32>
        %add3A_237 = arith.constant 0 : i32
        %add3A_238 = arith.addi %add3A_237, %add3A_210 : i32
        %swap3A_239 = arith.index_cast %add3A_238 : i32 to index
        %swap3A_240 = arith.constant 16 : index
        %swap3A_241 = tpu.vector_load %arg12[%swap3A_239, %swap3A_240] {strides = array<i32>} : memref<400x64xf32, #tpu.memory_space<vmem>>, vector<1x16xf32>,
        %swap3A_242 = vector.shape_cast %swap3A_241 : vector<1x16xf32> to vector<16xf32>
        %swap3A_243 = vector.shape_cast %get3A_236 : vector<16xf32> to vector<1x16xf32>
        tpu.vector_store %arg12[%swap3A_239, %swap3A_240], %swap3A_243 {add = true, strides = array<i32>} : memref<400x64xf32, #tpu.memory_space<vmem>>, vector<1x16xf32>,
        %add3A_244 = arith.constant 200 : i32
        %add3A_245 = arith.addi %add3A_244, %add3A_210 : i32
        %swap3A_246 = arith.index_cast %add3A_245 : i32 to index
        %swap3A_247 = arith.constant 16 : index
        %swap3A_248 = tpu.vector_load %arg12[%swap3A_246, %swap3A_247] {strides = array<i32>} : memref<400x64xf32, #tpu.memory_space<vmem>>, vector<1x16xf32>,
        %swap3A_249 = vector.shape_cast %swap3A_248 : vector<1x16xf32> to vector<16xf32>
        %swap3A_250 = vector.shape_cast %get3A_236 : vector<16xf32> to vector<1x16xf32>
        tpu.vector_store %arg12[%swap3A_246, %swap3A_247], %swap3A_250 {add = true, strides = array<i32>} : memref<400x64xf32, #tpu.memory_space<vmem>>, vector<1x16xf32>,
        %mul3A_251 = arith.constant 64 : i32
        %mul3A_252 = arith.muli %add3A_210, %mul3A_251 : i32
        %add3A_253 = arith.constant 32 : i32
        %add3A_254 = arith.addi %mul3A_252, %add3A_253 : i32
        %get3A_255 = arith.index_cast %add3A_254 : i32 to index
        %get3A_256 = tpu.vector_load %arg14[%get3A_255] {strides = array<i32>} : memref<12800xf32, #tpu.memory_space<vmem>>, vector<16xf32>,
        %get3A_257 = vector.shape_cast %get3A_256 : vector<16xf32> to vector<16xf32>
        %add3A_258 = arith.constant 0 : i32
        %add3A_259 = arith.addi %add3A_258, %add3A_210 : i32
        %swap3A_260 = arith.index_cast %add3A_259 : i32 to index
        %swap3A_261 = arith.constant 32 : index
        %swap3A_262 = tpu.vector_load %arg12[%swap3A_260, %swap3A_261] {strides = array<i32>} : memref<400x64xf32, #tpu.memory_space<vmem>>, vector<1x16xf32>,
        %swap3A_263 = vector.shape_cast %swap3A_262 : vector<1x16xf32> to vector<16xf32>
        %swap3A_264 = vector.shape_cast %get3A_257 : vector<16xf32> to vector<1x16xf32>
        tpu.vector_store %arg12[%swap3A_260, %swap3A_261], %swap3A_264 {add = true, strides = array<i32>} : memref<400x64xf32, #tpu.memory_space<vmem>>, vector<1x16xf32>,
        %add3A_265 = arith.constant 200 : i32
        %add3A_266 = arith.addi %add3A_265, %add3A_210 : i32
        %swap3A_267 = arith.index_cast %add3A_266 : i32 to index
        %swap3A_268 = arith.constant 32 : index
        %swap3A_269 = tpu.vector_load %arg12[%swap3A_267, %swap3A_268] {strides = array<i32>} : memref<400x64xf32, #tpu.memory_space<vmem>>, vector<1x16xf32>,
        %swap3A_270 = vector.shape_cast %swap3A_269 : vector<1x16xf32> to vector<16xf32>
        %swap3A_271 = vector.shape_cast %get3A_257 : vector<16xf32> to vector<1x16xf32>
        tpu.vector_store %arg12[%swap3A_267, %swap3A_268], %swap3A_271 {add = true, strides = array<i32>} : memref<400x64xf32, #tpu.memory_space<vmem>>, vector<1x16xf32>,
        %mul3A_272 = arith.constant 64 : i32
        %mul3A_273 = arith.muli %add3A_210, %mul3A_272 : i32
        %add3A_274 = arith.constant 48 : i32
        %add3A_275 = arith.addi %mul3A_273, %add3A_274 : i32
        %get3A_276 = arith.index_cast %add3A_275 : i32 to index
        %get3A_277 = tpu.vector_load %arg14[%get3A_276] {strides = array<i32>} : memref<12800xf32, #tpu.memory_space<vmem>>, vector<16xf32>,
        %get3A_278 = vector.shape_cast %get3A_277 : vector<16xf32> to vector<16xf32>
        %add3A_279 = arith.constant 0 : i32
        %add3A_280 = arith.addi %add3A_279, %add3A_210 : i32
        %swap3A_281 = arith.index_cast %add3A_280 : i32 to index
        %swap3A_282 = arith.constant 48 : index
        %swap3A_283 = tpu.vector_load %arg12[%swap3A_281, %swap3A_282] {strides = array<i32>} : memref<400x64xf32, #tpu.memory_space<vmem>>, vector<1x16xf32>,
        %swap3A_284 = vector.shape_cast %swap3A_283 : vector<1x16xf32> to vector<16xf32>
        %swap3A_285 = vector.shape_cast %get3A_278 : vector<16xf32> to vector<1x16xf32>
        tpu.vector_store %arg12[%swap3A_281, %swap3A_282], %swap3A_285 {add = true, strides = array<i32>} : memref<400x64xf32, #tpu.memory_space<vmem>>, vector<1x16xf32>,
        %add3A_286 = arith.constant 200 : i32
        %add3A_287 = arith.addi %add3A_286, %add3A_210 : i32
        %swap3A_288 = arith.index_cast %add3A_287 : i32 to index
        %swap3A_289 = arith.constant 48 : index
        %swap3A_290 = tpu.vector_load %arg12[%swap3A_288, %swap3A_289] {strides = array<i32>} : memref<400x64xf32, #tpu.memory_space<vmem>>, vector<1x16xf32>,
        %swap3A_291 = vector.shape_cast %swap3A_290 : vector<1x16xf32> to vector<16xf32>
        %swap3A_292 = vector.shape_cast %get3A_278 : vector<16xf32> to vector<1x16xf32>
        tpu.vector_store %arg12[%swap3A_288, %swap3A_289], %swap3A_292 {add = true, strides = array<i32>} : memref<400x64xf32, #tpu.memory_space<vmem>>, vector<1x16xf32>,
      }
      %scan3A_150 = arith.constant 200 : i32
      %mul3A_151 = arith.constant 400 : i32
      %mul3A_152 = arith.muli %add3A_135, %mul3A_151 : i32
      %add3A_153 = arith.addi %mul3A_2, %mul3A_152 : i32
      %dma_start3A_154 = arith.constant 0 : i32
      %dma_start3A_155 = tpu.memref_slice %arg5[%add3A_153, %dma_start3A_154] : memref<819200x64xf32, #tpu.memory_space<hbm>> -> memref<400x64xf32, #tpu.memory_space<hbm>>
      %dma_start3A_156 = arith.constant 0 : i32
      %dma_start3A_157 = tpu.memref_slice %arg5[%add3A_153, %dma_start3A_156] : memref<819200x64xf32, #tpu.memory_space<hbm>> -> memref<400x64xf32, #tpu.memory_space<hbm>>
      tpu.enqueue_dma source(%arg12 : memref<400x64xf32, #tpu.memory_space<vmem>>) target(%dma_start3A_157 : memref<400x64xf32, #tpu.memory_space<hbm>>) target_semaphore(%arg25 : memref<!tpu.dma_semaphore, #tpu.memory_space<semaphore_mem>>)
      %dma_wait3A_158 = arith.constant 0 : i32
      %dma_wait3A_159 = arith.constant 0 : i32
      %dma_wait3A_160 = tpu.memref_slice %arg5[%dma_wait3A_158, %dma_wait3A_159] : memref<819200x64xf32, #tpu.memory_space<hbm>> -> memref<400x64xf32, #tpu.memory_space<hbm>>
      %dma_wait3A_161 = arith.constant 0 : i32
      %dma_wait3A_162 = arith.constant 0 : i32
      %dma_wait3A_163 = tpu.memref_slice %arg5[%dma_wait3A_161, %dma_wait3A_162] : memref<819200x64xf32, #tpu.memory_space<hbm>> -> memref<400x64xf32, #tpu.memory_space<hbm>>
      tpu.wait_dma2 semaphore(%arg23 : memref<!tpu.dma_semaphore, #tpu.memory_space<semaphore_mem>>) src(%arg10 : memref<400x64xf32, #tpu.memory_space<vmem>>) dst(%dma_wait3A_163 : memref<400x64xf32, #tpu.memory_space<hbm>>)
      %lt3A_164 = arith.constant 15 : i32
      %lt3A_165 = arith.cmpi slt, %add3A_55, %lt3A_164 : i32
      %convert_element_type3A_166 = arith.extui %lt3A_165 : i1 to i32
      %cond3A_167 = arith.constant 0 : i32
      %cond3A_168 = arith.cmpi ne, %convert_element_type3A_166, %cond3A_167 : i32
      scf.if %cond3A_168 {
        %dma_wait3A_206 = arith.constant 0 : i32
        %dma_wait3A_207 = tpu.memref_slice %arg3[%dma_wait3A_206] : memref<819200xi32, #tpu.memory_space<hbm>> -> memref<400xi32, #tpu.memory_space<hbm>>
        %dma_wait3A_208 = arith.constant 0 : i32
        %dma_wait3A_209 = tpu.memref_slice %arg3[%dma_wait3A_208] : memref<819200xi32, #tpu.memory_space<hbm>> -> memref<400xi32, #tpu.memory_space<hbm>>
        tpu.wait_dma2 semaphore(%arg15 : memref<!tpu.dma_semaphore, #tpu.memory_space<semaphore_mem>>) src(%dma_wait3A_209 : memref<400xi32, #tpu.memory_space<hbm>>) dst(%arg6 : memref<400xi32, #tpu.memory_space<vmem>>)
        %scan3A_210 = arith.constant 0 : i32
        %scan3A_211 = arith.constant 25 : i32
        %scan3A_212 = arith.addi %scan3A_210, %scan3A_211 : i32
        %scan3A_213 = arith.constant 1 : i32
        scf.for %scan3A_215 = %scan3A_210 to %scan3A_212 step %scan3A_213  : i32 {
          %mul3A_216 = arith.constant 1 : i32
          %mul3A_217 = arith.muli %scan3A_215, %mul3A_216 : i32
          %add3A_218 = arith.constant 0 : i32
          %add3A_219 = arith.addi %add3A_218, %mul3A_217 : i32
          %mul3A_220 = arith.constant 16 : i32
          %mul3A_221 = arith.muli %add3A_219, %mul3A_220 : i32
          %get3A = arith.index_cast %mul3A_221 : i32 to index
          %get3A_222 = tpu.vector_load %arg6[%get3A] {strides = array<i32>} : memref<400xi32, #tpu.memory_space<vmem>>, vector<16xi32>,
          %get3A_223 = vector.shape_cast %get3A_222 : vector<16xi32> to vector<16xi32>
          %dma_start3A_224 = arith.constant 0 : i32
          %dma_start3A_225 = tpu.memref_slice %arg10[%mul3A_221, %dma_start3A_224] : memref<400x64xf32, #tpu.memory_space<vmem>> -> memref<16x64xf32, #tpu.memory_space<vmem>>
          %dma_start3A_226 = arith.constant 0 : i32
          %dma_start3A_227 = arith.constant 0 : i32
          %dma_start3A_228 = tpu.memref_slice %arg2[%dma_start3A_226, %dma_start3A_227] : memref<1000000x64xf32, #tpu.memory_space<hbm>> -> memref<1000000x64xf32, #tpu.memory_space<hbm>>
          tpu.enqueue_indirect_dma source(%dma_start3A_228 : memref<1000000x64xf32, #tpu.memory_space<hbm>>) target(%dma_start3A_225 : memref<16x64xf32, #tpu.memory_space<vmem>>) offsets(%get3A_223 : vector<16xi32>) semaphore(%arg19 : memref<!tpu.dma_semaphore, #tpu.memory_space<semaphore_mem>>)
        }
        %scan3A_214 = arith.constant 25 : i32
      } else {
      }
      %mul3A_169 = arith.constant 4 : i32
      %mul3A_170 = arith.muli %add3A_55, %mul3A_169 : i32
      %add3A_171 = arith.constant 3 : i32
      %add3A_172 = arith.addi %mul3A_170, %add3A_171 : i32
      %scan3A_173 = arith.constant 0 : i32
      %scan3A_174 = arith.constant 25 : i32
      %scan3A_175 = arith.addi %scan3A_173, %scan3A_174 : i32
      %scan3A_176 = arith.constant 1 : i32
      scf.for %scan3A_206 = %scan3A_173 to %scan3A_175 step %scan3A_176  : i32 {
        %mul3A_207 = arith.constant 1 : i32
        %mul3A_208 = arith.muli %scan3A_206, %mul3A_207 : i32
        %add3A_209 = arith.constant 0 : i32
        %add3A_210 = arith.addi %add3A_209, %mul3A_208 : i32
        %get3A = arith.constant 0 : index
        %get3A_211 = tpu.vector_load %arg9[%get3A] {strides = array<i32>} : memref<400xi32, #tpu.memory_space<vmem>>, vector<16xi32>,
        %get3A_212 = vector.shape_cast %get3A_211 : vector<16xi32> to vector<16xi32>
        %dma_wait3A_213 = arith.constant 0 : i32
        %dma_wait3A_214 = arith.constant 0 : i32
        %dma_wait3A_215 = tpu.memref_slice %arg13[%dma_wait3A_213, %dma_wait3A_214] : memref<400x64xf32, #tpu.memory_space<vmem>> -> memref<16x64xf32, #tpu.memory_space<vmem>>
        %dma_wait3A_216 = arith.constant 0 : i32
        %dma_wait3A_217 = arith.constant 0 : i32
        %dma_wait3A_218 = tpu.memref_slice %arg2[%dma_wait3A_216, %dma_wait3A_217] : memref<1000000x64xf32, #tpu.memory_space<hbm>> -> memref<1000000x64xf32, #tpu.memory_space<hbm>>
        tpu.wait_indirect_dma semaphore(%arg22 : memref<!tpu.dma_semaphore, #tpu.memory_space<semaphore_mem>>) src(%dma_wait3A_218 : memref<1000000x64xf32, #tpu.memory_space<hbm>>) dst(%dma_wait3A_215 : memref<16x64xf32, #tpu.memory_space<vmem>>)
      }
      %scan3A_177 = arith.constant 25 : i32
      %lt3A_178 = arith.constant 15 : i32
      %lt3A_179 = arith.cmpi slt, %add3A_55, %lt3A_178 : i32
      %convert_element_type3A_180 = arith.extui %lt3A_179 : i1 to i32
      %cond3A_181 = arith.constant 0 : i32
      %cond3A_182 = arith.cmpi ne, %convert_element_type3A_180, %cond3A_181 : i32
      scf.if %cond3A_182 {
        %add3A_206 = arith.constant 4 : i32
        %add3A_207 = arith.addi %add3A_172, %add3A_206 : i32
        %mul3A_208 = arith.constant 400 : i32
        %mul3A_209 = arith.muli %add3A_207, %mul3A_208 : i32
        %add3A_210 = arith.addi %mul3A_2, %mul3A_209 : i32
        %dma_start3A_211 = tpu.memref_slice %arg3[%add3A_210] : memref<819200xi32, #tpu.memory_space<hbm>> -> memref<400xi32, #tpu.memory_space<hbm>>
        %dma_start3A_212 = tpu.memref_slice %arg3[%add3A_210] : memref<819200xi32, #tpu.memory_space<hbm>> -> memref<400xi32, #tpu.memory_space<hbm>>
        tpu.enqueue_dma source(%dma_start3A_212 : memref<400xi32, #tpu.memory_space<hbm>>) target(%arg9 : memref<400xi32, #tpu.memory_space<vmem>>) target_semaphore(%arg18 : memref<!tpu.dma_semaphore, #tpu.memory_space<semaphore_mem>>)
      } else {
      }
      %scan3A_183 = arith.constant 0 : i32
      %scan3A_184 = arith.constant 200 : i32
      %scan3A_185 = arith.addi %scan3A_183, %scan3A_184 : i32
      %scan3A_186 = arith.constant 1 : i32
      scf.for %scan3A_206 = %scan3A_183 to %scan3A_185 step %scan3A_186  : i32 {
        %mul3A_207 = arith.constant 1 : i32
        %mul3A_208 = arith.muli %scan3A_206, %mul3A_207 : i32
        %add3A_209 = arith.constant 0 : i32
        %add3A_210 = arith.addi %add3A_209, %mul3A_208 : i32
        %mul3A_211 = arith.constant 64 : i32
        %mul3A_212 = arith.muli %add3A_210, %mul3A_211 : i32
        %add3A_213 = arith.constant 0 : i32
        %add3A_214 = arith.addi %mul3A_212, %add3A_213 : i32
        %get3A = arith.index_cast %add3A_214 : i32 to index
        %get3A_215 = tpu.vector_load %arg14[%get3A] {strides = array<i32>} : memref<12800xf32, #tpu.memory_space<vmem>>, vector<16xf32>,
        %get3A_216 = vector.shape_cast %get3A_215 : vector<16xf32> to vector<16xf32>
        %add3A_217 = arith.constant 0 : i32
        %add3A_218 = arith.addi %add3A_217, %add3A_210 : i32
        %swap3A = arith.index_cast %add3A_218 : i32 to index
        %swap3A_219 = arith.constant 0 : index
        %swap3A_220 = tpu.vector_load %arg13[%swap3A, %swap3A_219] {strides = array<i32>} : memref<400x64xf32, #tpu.memory_space<vmem>>, vector<1x16xf32>,
        %swap3A_221 = vector.shape_cast %swap3A_220 : vector<1x16xf32> to vector<16xf32>
        %swap3A_222 = vector.shape_cast %get3A_216 : vector<16xf32> to vector<1x16xf32>
        tpu.vector_store %arg13[%swap3A, %swap3A_219], %swap3A_222 {add = true, strides = array<i32>} : memref<400x64xf32, #tpu.memory_space<vmem>>, vector<1x16xf32>,
        %add3A_223 = arith.constant 200 : i32
        %add3A_224 = arith.addi %add3A_223, %add3A_210 : i32
        %swap3A_225 = arith.index_cast %add3A_224 : i32 to index
        %swap3A_226 = arith.constant 0 : index
        %swap3A_227 = tpu.vector_load %arg13[%swap3A_225, %swap3A_226] {strides = array<i32>} : memref<400x64xf32, #tpu.memory_space<vmem>>, vector<1x16xf32>,
        %swap3A_228 = vector.shape_cast %swap3A_227 : vector<1x16xf32> to vector<16xf32>
        %swap3A_229 = vector.shape_cast %get3A_216 : vector<16xf32> to vector<1x16xf32>
        tpu.vector_store %arg13[%swap3A_225, %swap3A_226], %swap3A_229 {add = true, strides = array<i32>} : memref<400x64xf32, #tpu.memory_space<vmem>>, vector<1x16xf32>,
        %mul3A_230 = arith.constant 64 : i32
        %mul3A_231 = arith.muli %add3A_210, %mul3A_230 : i32
        %add3A_232 = arith.constant 16 : i32
        %add3A_233 = arith.addi %mul3A_231, %add3A_232 : i32
        %get3A_234 = arith.index_cast %add3A_233 : i32 to index
        %get3A_235 = tpu.vector_load %arg14[%get3A_234] {strides = array<i32>} : memref<12800xf32, #tpu.memory_space<vmem>>, vector<16xf32>,
        %get3A_236 = vector.shape_cast %get3A_235 : vector<16xf32> to vector<16xf32>
        %add3A_237 = arith.constant 0 : i32
        %add3A_238 = arith.addi %add3A_237, %add3A_210 : i32
        %swap3A_239 = arith.index_cast %add3A_238 : i32 to index
        %swap3A_240 = arith.constant 16 : index
        %swap3A_241 = tpu.vector_load %arg13[%swap3A_239, %swap3A_240] {strides = array<i32>} : memref<400x64xf32, #tpu.memory_space<vmem>>, vector<1x16xf32>,
        %swap3A_242 = vector.shape_cast %swap3A_241 : vector<1x16xf32> to vector<16xf32>
        %swap3A_243 = vector.shape_cast %get3A_236 : vector<16xf32> to vector<1x16xf32>
        tpu.vector_store %arg13[%swap3A_239, %swap3A_240], %swap3A_243 {add = true, strides = array<i32>} : memref<400x64xf32, #tpu.memory_space<vmem>>, vector<1x16xf32>,
        %add3A_244 = arith.constant 200 : i32
        %add3A_245 = arith.addi %add3A_244, %add3A_210 : i32
        %swap3A_246 = arith.index_cast %add3A_245 : i32 to index
        %swap3A_247 = arith.constant 16 : index
        %swap3A_248 = tpu.vector_load %arg13[%swap3A_246, %swap3A_247] {strides = array<i32>} : memref<400x64xf32, #tpu.memory_space<vmem>>, vector<1x16xf32>,
        %swap3A_249 = vector.shape_cast %swap3A_248 : vector<1x16xf32> to vector<16xf32>
        %swap3A_250 = vector.shape_cast %get3A_236 : vector<16xf32> to vector<1x16xf32>
        tpu.vector_store %arg13[%swap3A_246, %swap3A_247], %swap3A_250 {add = true, strides = array<i32>} : memref<400x64xf32, #tpu.memory_space<vmem>>, vector<1x16xf32>,
        %mul3A_251 = arith.constant 64 : i32
        %mul3A_252 = arith.muli %add3A_210, %mul3A_251 : i32
        %add3A_253 = arith.constant 32 : i32
        %add3A_254 = arith.addi %mul3A_252, %add3A_253 : i32
        %get3A_255 = arith.index_cast %add3A_254 : i32 to index
        %get3A_256 = tpu.vector_load %arg14[%get3A_255] {strides = array<i32>} : memref<12800xf32, #tpu.memory_space<vmem>>, vector<16xf32>,
        %get3A_257 = vector.shape_cast %get3A_256 : vector<16xf32> to vector<16xf32>
        %add3A_258 = arith.constant 0 : i32
        %add3A_259 = arith.addi %add3A_258, %add3A_210 : i32
        %swap3A_260 = arith.index_cast %add3A_259 : i32 to index
        %swap3A_261 = arith.constant 32 : index
        %swap3A_262 = tpu.vector_load %arg13[%swap3A_260, %swap3A_261] {strides = array<i32>} : memref<400x64xf32, #tpu.memory_space<vmem>>, vector<1x16xf32>,
        %swap3A_263 = vector.shape_cast %swap3A_262 : vector<1x16xf32> to vector<16xf32>
        %swap3A_264 = vector.shape_cast %get3A_257 : vector<16xf32> to vector<1x16xf32>
        tpu.vector_store %arg13[%swap3A_260, %swap3A_261], %swap3A_264 {add = true, strides = array<i32>} : memref<400x64xf32, #tpu.memory_space<vmem>>, vector<1x16xf32>,
        %add3A_265 = arith.constant 200 : i32
        %add3A_266 = arith.addi %add3A_265, %add3A_210 : i32
        %swap3A_267 = arith.index_cast %add3A_266 : i32 to index
        %swap3A_268 = arith.constant 32 : index
        %swap3A_269 = tpu.vector_load %arg13[%swap3A_267, %swap3A_268] {strides = array<i32>} : memref<400x64xf32, #tpu.memory_space<vmem>>, vector<1x16xf32>,
        %swap3A_270 = vector.shape_cast %swap3A_269 : vector<1x16xf32> to vector<16xf32>
        %swap3A_271 = vector.shape_cast %get3A_257 : vector<16xf32> to vector<1x16xf32>
        tpu.vector_store %arg13[%swap3A_267, %swap3A_268], %swap3A_271 {add = true, strides = array<i32>} : memref<400x64xf32, #tpu.memory_space<vmem>>, vector<1x16xf32>,
        %mul3A_272 = arith.constant 64 : i32
        %mul3A_273 = arith.muli %add3A_210, %mul3A_272 : i32
        %add3A_274 = arith.constant 48 : i32
        %add3A_275 = arith.addi %mul3A_273, %add3A_274 : i32
        %get3A_276 = arith.index_cast %add3A_275 : i32 to index
        %get3A_277 = tpu.vector_load %arg14[%get3A_276] {strides = array<i32>} : memref<12800xf32, #tpu.memory_space<vmem>>, vector<16xf32>,
        %get3A_278 = vector.shape_cast %get3A_277 : vector<16xf32> to vector<16xf32>
        %add3A_279 = arith.constant 0 : i32
        %add3A_280 = arith.addi %add3A_279, %add3A_210 : i32
        %swap3A_281 = arith.index_cast %add3A_280 : i32 to index
        %swap3A_282 = arith.constant 48 : index
        %swap3A_283 = tpu.vector_load %arg13[%swap3A_281, %swap3A_282] {strides = array<i32>} : memref<400x64xf32, #tpu.memory_space<vmem>>, vector<1x16xf32>,
        %swap3A_284 = vector.shape_cast %swap3A_283 : vector<1x16xf32> to vector<16xf32>
        %swap3A_285 = vector.shape_cast %get3A_278 : vector<16xf32> to vector<1x16xf32>
        tpu.vector_store %arg13[%swap3A_281, %swap3A_282], %swap3A_285 {add = true, strides = array<i32>} : memref<400x64xf32, #tpu.memory_space<vmem>>, vector<1x16xf32>,
        %add3A_286 = arith.constant 200 : i32
        %add3A_287 = arith.addi %add3A_286, %add3A_210 : i32
        %swap3A_288 = arith.index_cast %add3A_287 : i32 to index
        %swap3A_289 = arith.constant 48 : index
        %swap3A_290 = tpu.vector_load %arg13[%swap3A_288, %swap3A_289] {strides = array<i32>} : memref<400x64xf32, #tpu.memory_space<vmem>>, vector<1x16xf32>,
        %swap3A_291 = vector.shape_cast %swap3A_290 : vector<1x16xf32> to vector<16xf32>
        %swap3A_292 = vector.shape_cast %get3A_278 : vector<16xf32> to vector<1x16xf32>
        tpu.vector_store %arg13[%swap3A_288, %swap3A_289], %swap3A_292 {add = true, strides = array<i32>} : memref<400x64xf32, #tpu.memory_space<vmem>>, vector<1x16xf32>,
      }
      %scan3A_187 = arith.constant 200 : i32
      %mul3A_188 = arith.constant 400 : i32
      %mul3A_189 = arith.muli %add3A_172, %mul3A_188 : i32
      %add3A_190 = arith.addi %mul3A_2, %mul3A_189 : i32
      %dma_start3A_191 = arith.constant 0 : i32
      %dma_start3A_192 = tpu.memref_slice %arg5[%add3A_190, %dma_start3A_191] : memref<819200x64xf32, #tpu.memory_space<hbm>> -> memref<400x64xf32, #tpu.memory_space<hbm>>
      %dma_start3A_193 = arith.constant 0 : i32
      %dma_start3A_194 = tpu.memref_slice %arg5[%add3A_190, %dma_start3A_193] : memref<819200x64xf32, #tpu.memory_space<hbm>> -> memref<400x64xf32, #tpu.memory_space<hbm>>
      tpu.enqueue_dma source(%arg13 : memref<400x64xf32, #tpu.memory_space<vmem>>) target(%dma_start3A_194 : memref<400x64xf32, #tpu.memory_space<hbm>>) target_semaphore(%arg26 : memref<!tpu.dma_semaphore, #tpu.memory_space<semaphore_mem>>)
      %dma_wait3A_195 = arith.constant 0 : i32
      %dma_wait3A_196 = arith.constant 0 : i32
      %dma_wait3A_197 = tpu.memref_slice %arg5[%dma_wait3A_195, %dma_wait3A_196] : memref<819200x64xf32, #tpu.memory_space<hbm>> -> memref<400x64xf32, #tpu.memory_space<hbm>>
      %dma_wait3A_198 = arith.constant 0 : i32
      %dma_wait3A_199 = arith.constant 0 : i32
      %dma_wait3A_200 = tpu.memref_slice %arg5[%dma_wait3A_198, %dma_wait3A_199] : memref<819200x64xf32, #tpu.memory_space<hbm>> -> memref<400x64xf32, #tpu.memory_space<hbm>>
      tpu.wait_dma2 semaphore(%arg24 : memref<!tpu.dma_semaphore, #tpu.memory_space<semaphore_mem>>) src(%arg11 : memref<400x64xf32, #tpu.memory_space<vmem>>) dst(%dma_wait3A_200 : memref<400x64xf32, #tpu.memory_space<hbm>>)
      %lt3A_201 = arith.constant 15 : i32
      %lt3A_202 = arith.cmpi slt, %add3A_55, %lt3A_201 : i32
      %convert_element_type3A_203 = arith.extui %lt3A_202 : i1 to i32
      %cond3A_204 = arith.constant 0 : i32
      %cond3A_205 = arith.cmpi ne, %convert_element_type3A_203, %cond3A_204 : i32
      scf.if %cond3A_205 {
        %dma_wait3A_206 = arith.constant 0 : i32
        %dma_wait3A_207 = tpu.memref_slice %arg3[%dma_wait3A_206] : memref<819200xi32, #tpu.memory_space<hbm>> -> memref<400xi32, #tpu.memory_space<hbm>>
        %dma_wait3A_208 = arith.constant 0 : i32
        %dma_wait3A_209 = tpu.memref_slice %arg3[%dma_wait3A_208] : memref<819200xi32, #tpu.memory_space<hbm>> -> memref<400xi32, #tpu.memory_space<hbm>>
        tpu.wait_dma2 semaphore(%arg16 : memref<!tpu.dma_semaphore, #tpu.memory_space<semaphore_mem>>) src(%dma_wait3A_209 : memref<400xi32, #tpu.memory_space<hbm>>) dst(%arg7 : memref<400xi32, #tpu.memory_space<vmem>>)
        %scan3A_210 = arith.constant 0 : i32
        %scan3A_211 = arith.constant 25 : i32
        %scan3A_212 = arith.addi %scan3A_210, %scan3A_211 : i32
        %scan3A_213 = arith.constant 1 : i32
        scf.for %scan3A_215 = %scan3A_210 to %scan3A_212 step %scan3A_213  : i32 {
          %mul3A_216 = arith.constant 1 : i32
          %mul3A_217 = arith.muli %scan3A_215, %mul3A_216 : i32
          %add3A_218 = arith.constant 0 : i32
          %add3A_219 = arith.addi %add3A_218, %mul3A_217 : i32
          %mul3A_220 = arith.constant 16 : i32
          %mul3A_221 = arith.muli %add3A_219, %mul3A_220 : i32
          %get3A = arith.index_cast %mul3A_221 : i32 to index
          %get3A_222 = tpu.vector_load %arg7[%get3A] {strides = array<i32>} : memref<400xi32, #tpu.memory_space<vmem>>, vector<16xi32>,
          %get3A_223 = vector.shape_cast %get3A_222 : vector<16xi32> to vector<16xi32>
          %dma_start3A_224 = arith.constant 0 : i32
          %dma_start3A_225 = tpu.memref_slice %arg11[%mul3A_221, %dma_start3A_224] : memref<400x64xf32, #tpu.memory_space<vmem>> -> memref<16x64xf32, #tpu.memory_space<vmem>>
          %dma_start3A_226 = arith.constant 0 : i32
          %dma_start3A_227 = arith.constant 0 : i32
          %dma_start3A_228 = tpu.memref_slice %arg2[%dma_start3A_226, %dma_start3A_227] : memref<1000000x64xf32, #tpu.memory_space<hbm>> -> memref<1000000x64xf32, #tpu.memory_space<hbm>>
          tpu.enqueue_indirect_dma source(%dma_start3A_228 : memref<1000000x64xf32, #tpu.memory_space<hbm>>) target(%dma_start3A_225 : memref<16x64xf32, #tpu.memory_space<vmem>>) offsets(%get3A_223 : vector<16xi32>) semaphore(%arg20 : memref<!tpu.dma_semaphore, #tpu.memory_space<semaphore_mem>>)
        }
        %scan3A_214 = arith.constant 25 : i32
      } else {
      }
    }
    %scan3A_38 = arith.constant 16 : i32
    %dma_wait3A_39 = arith.constant 0 : i32
    %dma_wait3A_40 = arith.constant 0 : i32
    %dma_wait3A_41 = tpu.memref_slice %arg5[%dma_wait3A_39, %dma_wait3A_40] : memref<819200x64xf32, #tpu.memory_space<hbm>> -> memref<400x64xf32, #tpu.memory_space<hbm>>
    %dma_wait3A_42 = arith.constant 0 : i32
    %dma_wait3A_43 = arith.constant 0 : i32
    %dma_wait3A_44 = tpu.memref_slice %arg5[%dma_wait3A_42, %dma_wait3A_43] : memref<819200x64xf32, #tpu.memory_space<hbm>> -> memref<400x64xf32, #tpu.memory_space<hbm>>
    tpu.wait_dma2 semaphore(%arg25 : memref<!tpu.dma_semaphore, #tpu.memory_space<semaphore_mem>>) src(%arg12 : memref<400x64xf32, #tpu.memory_space<vmem>>) dst(%dma_wait3A_44 : memref<400x64xf32, #tpu.memory_space<hbm>>)
    %dma_wait3A_45 = arith.constant 0 : i32
    %dma_wait3A_46 = arith.constant 0 : i32
    %dma_wait3A_47 = tpu.memref_slice %arg5[%dma_wait3A_45, %dma_wait3A_46] : memref<819200x64xf32, #tpu.memory_space<hbm>> -> memref<400x64xf32, #tpu.memory_space<hbm>>
    %dma_wait3A_48 = arith.constant 0 : i32
    %dma_wait3A_49 = arith.constant 0 : i32
    %dma_wait3A_50 = tpu.memref_slice %arg5[%dma_wait3A_48, %dma_wait3A_49] : memref<819200x64xf32, #tpu.memory_space<hbm>> -> memref<400x64xf32, #tpu.memory_space<hbm>>
    tpu.wait_dma2 semaphore(%arg26 : memref<!tpu.dma_semaphore, #tpu.memory_space<semaphore_mem>>) src(%arg13 : memref<400x64xf32, #tpu.memory_space<vmem>>) dst(%dma_wait3A_50 : memref<400x64xf32, #tpu.memory_space<hbm>>)
    return
  }
}

</mosaic_0001>

<sc_bundles>
// kernel: kernel.3.cloned.1.call-start
scs
__scs_entry_jumppad:
0x0: {  	(pc) =	sbr.rel $0x88, $3  }
0x1: {  	(tag) =	ssettag $0x0;
	lr =	simm.s32 $0x1  }
0x2: {  	[smem:$0x3F9F] =	sst lr;
	_ =	strace $0xD0000000  }
0x3: {  	_ = 	snop  }
0x4: {  	_ = 	snop  }
0x5: {  	_ = 	snop  }
0x6: {  	_ = 	snop  }
0x7: {  	_ = 	snop  }
__scs_overlays_trampoline_lowered:
0x8: {  	[smem:$0x3FAE] =	sst s0  }
0x9: {  	[smem:$0x3FAF] =	sst s1  }
0xa: {  	[smem:$0x3FB0] =	sst s2  }
0xb: {  	[smem:$0x3FB1] =	sst s3  }
0xc: {  	[smem:$0x3FB2] =	sst s4  }
0xd: {  	[smem:$0x3FB3] =	sst s5  }
0xe: {  	[smem:$0x3FB4] =	sst s6  }
0xf: {  	[smem:$0x3FB5] =	sst s7  }
0x10: {  	[smem:$0x3FB6] =	sst s8  }
0x11: {  	[smem:$0x3FB7] =	sst s9;
	s0 =	simm.s32 @!p0 $0x0  }
0x12: {  	s1 =	sld [smem:$0x3F9D];
	s0 =	simm.s32 @p0 $0x1  }
0x13: {  	[smem:$0x3FB8] =	sst s0;
	s0 =	simm.s32 @!p1 $0x0  }
0x14: {  	s2 =	sld [smem:$0x3F9C];
	s0 =	simm.s32 @p1 $0x1  }
0x15: {  	[smem:$0x3FB9] =	sst s0;
	s0 =	simm.s32 @!p2 $0x0  }
0x16: {  	s3 =	sld [smem:$0x3FDB];
	s0 =	simm.s32 @p2 $0x1  }
0x17: {  	s4 =	simm.s32 $0x1BF5;
	[smem:$0x3FBB] =	sst s0  }
0x18: {  	s0 =	sld [smem:$0x3F9E];
	_ =	swait.ge [sflag:s4], $0x0  }
0x19: {  	s7 =	sld [smem:$0x3F9F]  }
0x1a: {  	s8 =	sadd.s32 $0xFFFFE003, lr  }
0x1b: {  	s9 =	sadd.s32 $0xFFFFFEF7, lr;
	s5 =	simm.s32 $0xFFFFFFFF;
	p2 =	slt.u32 s8, $0xFFFFF086  }
0x1c: {  	p1 =	slt.u32 s9, $0xF7A;
	s5 =	simm.s32 @!p2 $0x0  }
0x1d: {  	s5 =	simm.s32 @p1 $0x1;
	p0 =	seq.s32 s7, s2  }
0x1e: {  	s7 =	smul.u32 @!p0 $0xF7A, s2;
	p2 =	seq.s32 @!p0 s5, $0x0  }
0x1f: {  	s9 =	smul.u32 $0xF7A, s1;
	s8 =	simm.s32 @!p0 $0x1BF5;
	p2 =	por !p2, p0  }
0x20: {  	[sflag:s8] =	ssyncset.s32 @!p0 $0xFFFFF086;
	s6 =	sadd.s32 @!p0 s3, s7;
	s7 =	simm.s32 @!p0 $0x108  }
0x21: {  	s3 =	sadd.s32 s3, s9;
	s6 =	sadd.s32 @!p0 $0x88, s6;
	s7 =	simm.s32 @p2 $0x1082  }
0x22: {  	[simem:s7], [sflag:s8] =	dma.local @!p0 [hbm:s6], $0xF7A  }
0x23: {  	s9 =	sor.u32 $0xD0000000, s2;
	s6 =	simm.s32 $0x108;
	_ =	swait.ge @!p0 [sflag:s8], $0x0  }
0x24: {  	s3 =	sadd.s32 $0x88, s3;
	s6 =	simm.s32 @!p1 $0x1082;
	[sflag:s4] =	ssyncset.s32 $0xFFFFF086  }
0x25: {  	[simem:s6], [sflag:s4] =	dma.local [hbm:s3], $0xF7A  }
0x26: {  	[smem:$0x3F9F] =	sst s1;
	(tag) =	ssettag s2;
	_ =	strace s9  }
0x27: {  	s1 =	sld [smem:$0x3FAF]  }
0x28: {  	s2 =	sld [smem:$0x3FB0]  }
0x29: {  	s4 =	sld [smem:$0x3FB2]  }
0x2a: {  	p0 =	seq.s32 s5, $0x0;
	s5 =	sld [smem:$0x3FB3]  }
0x2b: {  	s6 =	sld [smem:$0x3FB4]  }
0x2c: {  	s7 =	sld [smem:$0x3FB5]  }
0x2d: {  	s3 =	simm.s32 $0x108;
	s8 =	sld [smem:$0x3FB6]  }
0x2e: {  	s3 =	simm.s32 @!p0 $0x1082;
	s9 =	sld [smem:$0x3FB7]  }
0x2f: {  	lr =	sadd.s32 s0, s3;
	s0 =	sld [smem:$0x3FAE]  }
0x30: {  	s3 =	sld [smem:$0x3FB1]  }
0x31: {  	[smem:$0x3FBA] =	sst s10  }
0x32: {  	s10 =	sld [smem:$0x3FB8];
	_ =	sdelay $0x3  }
0x33: {  	p0 =	seq.s32 s10, $0x1;
	s10 =	sld [smem:$0x3FBA];
	_ =	sdelay $0x3  }
0x34: {  	[smem:$0x3FBA] =	sst s10  }
0x35: {  	s10 =	sld [smem:$0x3FB9];
	_ =	sdelay $0x3  }
0x36: {  	p1 =	seq.s32 s10, $0x1;
	s10 =	sld [smem:$0x3FBA];
	_ =	sdelay $0x3  }
0x37: {  	[smem:$0x3FBA] =	sst s10  }
0x38: {  	s10 =	sld [smem:$0x3FBB]  }
0x39: {  	_ = 	snop;
	(pc) =	sbr.ind lr, $3  }
0x3a: {  	_ = 	snop  }
0x3b: {  	_ = 	snop  }
0x3c: {  	p2 =	seq.s32 s10, $0x1;
	s10 =	sld [smem:$0x3FBA]  }
0x3d: {  	_ =	shalt  }
0x3e: {  	_ =	shalt  }
0x3f: {  	_ =	shalt  }
0x40: {  	_ =	shalt  }
0x41: {  	_ =	shalt  }
0x42: {  	_ =	shalt  }
0x43: {  	_ =	shalt  }
0x44: {  	_ =	shalt  }
0x45: {  	_ =	shalt  }
0x46: {  	_ =	shalt  }
0x47: {  	_ =	shalt  }
0x48: {  	_ =	shalt  }
0x49: {  	_ =	shalt  }
0x4a: {  	_ =	shalt  }
0x4b: {  	_ =	shalt  }
0x4c: {  	_ =	shalt  }
0x4d: {  	_ =	shalt  }
0x4e: {  	_ =	shalt  }
0x4f: {  	_ =	shalt  }
0x50: {  	_ =	shalt  }
0x51: {  	_ =	shalt  }
0x52: {  	_ =	shalt  }
0x53: {  	_ =	shalt  }
0x54: {  	_ =	shalt  }
0x55: {  	_ =	shalt  }
0x56: {  	_ =	shalt  }
0x57: {  	_ =	shalt  }
0x58: {  	_ =	shalt  }
0x59: {  	_ =	shalt  }
0x5a: {  	_ =	shalt  }
0x5b: {  	_ =	shalt  }
0x5c: {  	_ =	shalt  }
0x5d: {  	_ =	shalt  }
0x5e: {  	_ =	shalt  }
0x5f: {  	_ =	shalt  }
0x60: {  	_ =	shalt  }
0x61: {  	_ =	shalt  }
0x62: {  	_ =	shalt  }
0x63: {  	_ =	shalt  }
0x64: {  	_ =	shalt  }
0x65: {  	_ =	shalt  }
0x66: {  	_ =	shalt  }
0x67: {  	_ =	shalt  }
0x68: {  	_ =	shalt  }
0x69: {  	_ =	shalt  }
0x6a: {  	_ =	shalt  }
0x6b: {  	_ =	shalt  }
0x6c: {  	_ =	shalt  }
0x6d: {  	_ =	shalt  }
0x6e: {  	_ =	shalt  }
0x6f: {  	_ =	shalt  }
0x70: {  	_ =	shalt  }
0x71: {  	_ =	shalt  }
0x72: {  	_ =	shalt  }
0x73: {  	_ =	shalt  }
0x74: {  	_ =	shalt  }
0x75: {  	_ =	shalt  }
0x76: {  	_ =	shalt  }
0x77: {  	_ =	shalt  }
0x78: {  	_ =	shalt  }
0x79: {  	_ =	shalt  }
0x7a: {  	_ =	shalt  }
0x7b: {  	_ =	shalt  }
0x7c: {  	_ =	shalt  }
0x7d: {  	_ =	shalt  }
0x7e: {  	_ =	shalt  }
0x7f: {  	_ =	shalt  }
0x80: {  	_ =	shalt  }
0x81: {  	_ =	shalt  }
0x82: {  	_ =	shalt  }
0x83: {  	_ =	shalt  }
0x84: {  	_ =	shalt  }
0x85: {  	_ =	shalt  }
0x86: {  	_ =	shalt  }
0x87: {  	_ =	shalt  }
.Lfunc_end0:
.L_simem_size_0:
called_computation.1_lowered:
.L_overlay_start_0:
0x88: {  	s2 =	sld [smem:$0x3FD9]  }
0x89: {  	s3 =	sld [smem:$0x3FFE];
	_ =	sdelay $0x1  }
0x8a: {  	s1 =	srdreg.scid  }
0x8b: {  	s0 =	sand.u32 $0x1, s1  }
0x8c: {  	s17 =	sshll.u32 s0, $0xA;
	s2 =	sadd.s32 s3, s2  }
0x8d: {  	s2 =	sadd.s32 s2, s17  }
0x8e: {  	[smem:$0x3FC6] =	sst s2  }
0x8f: {  	_ = 	snop  }
0x90: {  	s2 =	sld [smem:$0x3FD0];
	(tm) =	ssettm $0x1  }
0x91: {  	s18 =	sld [smem:$0x3FFB];
	_ =	sdelay $0x3  }
0x92: {  	_ =	strace s18  }
0x93: {  	s3 =	sld [smem:$0x3FFC];
	_ =	sdelay $0x3  }
0x94: {  	_ =	strace s3  }
0x95: {  	s3 =	sld [smem:$0x3FFD];
	_ =	sdelay $0x3  }
0x96: {  	_ =	strace s3  }
0x97: {  	_ =	strace $0x8FFFFFFF  }
0x98: {  	s19 =	sld [smem:$0x3FDB];
	_ =	sdelay $0x1  }
0x99: {  	s4 =	simm.s32 $_scs_section_size  }
0x9a: {  	s5 =	simm.s32 $_size__tile_overlayer_lowered;
	s6 =	simm.s32 $_tile_overlayer_lowered  }
0x9b: {  	s22 =	simm.s32 $0x1BFF;
	s21 =	sshll.u32 s6, $0x1;
	s3 =	sadd.s32 s4, s19  }
0x9c: {  	s7 =	simm.s32 $0x0;
	s20 =	sshll.u32 s5, $0x1;
	s5 =	sadd.s32 s21, s3  }
0x9d: {  	[timem:s7], [sflag:s22] =	dma.local [hbm:s5], s20  }
0x9e: {  	_ =	swait.ge [sflag:s22], s20  }
0x9f: {  	s4 =	ssub.s32 $0x0, s20;
	[sflag:s22] =	ssyncset.done $0x0  }
0xa0: {  	[sflag:s22] =	ssyncadd.s32 s4;
	_ =	sdelay $0x1  }
0xa1: {  	s23 =	simm.s32 $0x1B8B  }
0xa2: {  	_ =	swait.ge [sflag:s23], $0x1  }
0xa3: {  	[sflag:s23] =	ssyncset.done $0x0  }
0xa4: {  	s25 =	simm.s32 $0x1B8E;
	s24 =	sld [smem:$0x3FFE];
	[sflag:s23] =	ssyncadd.s32 $0xFFFFFFFF  }
0xa5: {  	s26 =	simm.s32 $execute0_lowered;
	[smem:$0x3FD2] =	sst s25  }
0xa6: {  	s5 =	sshll.u32 s26, $0x1;
	_ =	strace $0x80000046;
	[dreg:$0x1] =	wrdreg $0xFFFFFFFF  }
0xa7: {  	s28 =	simm.s32 $_size_execute0_lowered;
	s3 =	sadd.s32 s3, s5;
	[dreg:$0x0] =	wrdreg $0x0  }
0xa8: {  	s5 =	sshll.u32 s28, $0x1;
	[dreg:$0x2] =	wrdreg s3  }
0xa9: {  	[dreg:$0x3] =	wrdreg s5  }
0xaa: {  	[dreg:$0x4] =	wrdreg $0xC0  }
0xab: {  	_ =	task [dreg:s7], $0x5FFFF  }
0xac: {  	[dreg:$0x1] =	wrdreg $0xFFFFFFFF  }
0xad: {  	[dreg:$0x0] =	wrdreg $0x60  }
0xae: {  	[dreg:$0x2] =	wrdreg s24  }
0xaf: {  	[dreg:$0x3] =	wrdreg s2  }
0xb0: {  	[dreg:$0x4] =	wrdreg $0x9  }
0xb1: {  	_ =	task.clear_ibuf [dreg:s7], $0x5FFFF;
	_ =	strace $0x90000046  }
0xb2: {  	s29 =	simm.s32 $0x9;
	_ =	strace $0x80000048  }
0xb3: {  	_ =	swait.ge [sflag:s29], $0x1  }
0xb4: {  	[sflag:s29] =	ssyncadd.s32 $0xFFFFFFFF  }
0xb5: {  	_ =	strace $0x90000048  }
0xb6: {  	_ =	sfence  }
0xb7: {  	s30 =	sld [smem:$0x0];
	_ =	sdelay $0x2  }
0xb8: {  	s31 =	sshll.u32 s1, $0xD;
	s1 =	sshrl.u32 s1, $0x2  }
0xb9: {  	s3 =	sand.u32 $0x4000, s31;
	s1 =	sadd.s32 s1, s30  }
0xba: {  	s0 =	sor.u32 s3, s0;
	s1 =	sshll.u32 s1, $0x11  }
0xbb: {  	s0 =	sor.u32 s1, s0  }
0xbc: {  	s0 =	sadd.s32 $0x8F2B, s0  }
0xbd: {  	[sflag:s0] =	ssyncadd.remote.s32 $0x1  }
0xbe: {  	_ =	sfence.sel $0xFFFF  }
0xbf: {  	[dreg:$0x0] =	wrdreg $0xFFFFFFFF;
	(pc) =	sbr.abs _section_cstart, $3  }
0xc0: {  	[dreg:$0x1] =	wrdreg $0xFFFFFFFF  }
0xc1: {  	_ =	task.clear_ibuf [dreg:s7], $0x2FFFF;
	_ =	strace $0x9FFFFFFF  }
0xc2: {  	(tm) =	ssettm $0x7FFFFFFF  }
0xc3: {  	_ =	shalt  }
tec
execute0_lowered:
.L_overlay_start_1:
0x0: {  	(tag) =	ssettag $0x1  }
0x1: {  	s0 =	rddreg [dreg:$0x0]  }
0x2: {  	s2 =	rddreg [dreg:$0x1]  }
0x3: {  	s1 =	srdreg.scid;
	s4 =	stileid.u32;
	s3 =	simm.s32 $0x0  }
0x4: {  	s22 =	simm.s32 $0x2;
	s23 =	simm.s32 $0x6A40;
	s29 =	simm.s32 $0x5  }
0x5: {  	s30 =	simm.s32 $0x3;
	s31 =	simm.s32 $0xCE40;
	s20 =	simm.s32 $0x13240  }
0x6: {  	s8 =	simm.s32 $0x7;
	s21 =	simm.s32 $0x9;
	s28 =	simm.s32 $0x8  }
0x7: {  	s11 =	simm.s32 $0x0;
	s1 =	sand.u32 $0x1, s1;
	s4 =	sshll.u32 s4, $0x1  }
0x8: {  	[smem:$0x7FF] =	sst s3;
	s5 =	sadd.s32 $0xF43A00, s0;
	s6 =	sadd.s32 $0x1600, s0  }
0x9: {  	s0 =	sadd.s32 $0x1A600, s0;
	s4 =	sor.u32 s1, s4;
	s1 =	ssub.s32 $0x2, s1  }
0xa: {  	_ =	strace $0x80000047;
	s4 =	smul.u32 $0x6400, s4;
	s24 =	sshrl.u32 s1, $0x1  }
0xb: {  	[dreg:$0x3] =	wrdreg s0;
	s0 =	ssub.s32 s1, s24;
	s24 =	simm.s32 $0xA  }
0xc: {  	s7 =	sshrl.u32 s4, $0x3;
	s9 =	sadd.s32 $0x4B0, s4;
	s13 =	sadd.s32 $0x640, s4  }
0xd: {  	s14 =	sadd.s32 $0x7D0, s4;
	s15 =	sor.u32 $0x190, s4;
	s16 =	sadd.s32 $0x960, s4  }
0xe: {  	s17 =	sor.u32 $0x320, s4;
	s18 =	sadd.s32 $0xAF0, s4;
	s0 =	smax.u32 s0, $0x1  }
.Ltmp0:
0xf: {  	s25 =	sadd.s32 s6, s7;
	[dreg:$0x8] =	wrdreg s0;
	(pc) =	sbr.rel .LBB2_1-.Ltmp0, $4  }
0x10: {  	s26 =	sshrl.u32 s9, $0x3;
	s7 =	sadd.s32 $0x32, s25;
	[dreg:$0x4] =	wrdreg s25  }
0x11: {  	s0 =	simm.s32 $0x6;
	s1 =	sadd.s32 $0x64, s25;
	[dreg:$0x5] =	wrdreg s7  }
0x12: {  	s25 =	simm.s32 $0x1;
	[dreg:$0x6] =	wrdreg s1;
	s1 =	sadd.s32 s6, s26  }
0x13: {  	vm0 =	vmmov $0xffff;
	s26 =	simm.s32 $0x640;
	[dreg:$0x7] =	wrdreg s1;
	s1 =	simm.s32 $0x4  }
.LBB2_14:
0x14: {  	s7 =	simm.s32 $0xB  }
0x15: {  	_ =	swait.ge [sflag:s7], $0x6400  }
0x16: {  	[sflag:s7] =	ssyncset.done $0x0  }
0x17: {  	s10 =	simm.s32 $0xC;
	[sflag:s7] =	ssyncadd.s32 $0xFFFF9C00  }
0x18: {  	_ =	swait.ge [sflag:s10], $0x6400  }
0x19: {  	s11 =	rddreg [dreg:$0x9]  }
0x1a: {  	s19 =	rddreg [dreg:$0x8];
	s11 =	sadd.s32 $0x1, s11  }
0x1b: {  	p0 =	sne.s32 s11, s19  }
.Ltmp1:
0x1c: {  	_ = 	snop;
	(pc) =	sbr.rel @!p0 .LBB2_15-.Ltmp1, $3  }
0x1d: {  	_ =	sdelay $0x1  }
0x1e: {  	[sflag:s10] =	ssyncset.done $0x0  }
0x1f: {  	[sflag:s10] =	ssyncadd.s32 $0xFFFF9C00  }
.LBB2_1:
0x20: {  	s7 =	rddreg [dreg:$0x3];
	s10 =	simm.s32 $0x19640  }
0x21: {  	[tilespmem:s10], [sflag:$0xD] =	stream.linear.gather [hbm4b:s7+s3], $0x3200, $0x38;
	[tilespmem:$0x1C840] =	vst v63  }
0x22: {  	[dreg:$0x9] =	wrdreg s11;
	s10 =	simm.s32 $0xD  }
0x23: {  	_ =	swait.ge [sflag:s10], $0x3200  }
0x24: {  	[sflag:s10] =	ssyncset.done $0x0  }
0x25: {  	s11 =	rddreg [dreg:$0x4];
	[sflag:s10] =	ssyncadd.s32 $0xFFFFCE00  }
0x26: {  	[tilespmem:s3], [sflag:$0x1] =	stream.linear.gather [hbm4b:s11+s3], $0x190, $0x38;
	[tilespmem:$0x1C840] =	vst v63  }
0x27: {  	s19 =	simm.s32 $0x190;
	s12 =	rddreg [dreg:$0x5]  }
0x28: {  	[tilespmem:s19], [sflag:$0x2] =	stream.linear.gather [hbm4b:s12+s3], $0x190, $0x38;
	[tilespmem:$0x1C840] =	vst v63  }
0x29: {  	s10 =	rddreg [dreg:$0x6];
	s11 =	simm.s32 $0x320  }
0x2a: {  	[tilespmem:s11], [sflag:$0x3] =	stream.linear.gather [hbm4b:s10+s3], $0x190, $0x38;
	[tilespmem:$0x1C840] =	vst v63  }
0x2b: {  	s12 =	rddreg [dreg:$0x7];
	s19 =	simm.s32 $0x4B0  }
0x2c: {  	[tilespmem:s19], [sflag:$0x4] =	stream.linear.gather [hbm4b:s12+s3], $0x190, $0x38;
	[tilespmem:$0x1C840] =	vst v63  }
0x2d: {  	_ =	swait.ge [sflag:s25], $0x190  }
0x2e: {  	[sflag:s25] =	ssyncset.done $0x0  }
0x2f: {  	[sflag:s25] =	ssyncadd.s32 $0xFFFFFE70  }
0x30: {  	v0 =	vld [tilespmem:$0x0];
	_ =	sdelay $0x7  }
0x31: {  	[tilespmem:s26], [sflag:$0x5] =	stream.indirect_vreg.gather [hbm4b:s5+s3], $0x40, v0, vm0, $0xb8;
	[tilespmem:$0x1C840] =	vst v63  }
0x32: {  	v0 =	vld [tilespmem:$0x10];
	_ =	sdelay $0x6  }
0x33: {  	s10 =	simm.s32 $0xA40  }
0x34: {  	[tilespmem:s10], [sflag:$0x5] =	stream.indirect_vreg.gather [hbm4b:s5+s3], $0x40, v0, vm0, $0xb8;
	[tilespmem:$0x1C840] =	vst v63  }
0x35: {  	v0 =	vld [tilespmem:$0x20];
	_ =	sdelay $0x6  }
0x36: {  	s11 =	simm.s32 $0xE40  }
0x37: {  	[tilespmem:s11], [sflag:$0x5] =	stream.indirect_vreg.gather [hbm4b:s5+s3], $0x40, v0, vm0, $0xb8;
	[tilespmem:$0x1C840] =	vst v63  }
0x38: {  	v0 =	vld [tilespmem:$0x30];
	_ =	sdelay $0x6  }
0x39: {  	s12 =	simm.s32 $0x1240  }
0x3a: {  	[tilespmem:s12], [sflag:$0x5] =	stream.indirect_vreg.gather [hbm4b:s5+s3], $0x40, v0, vm0, $0xb8;
	[tilespmem:$0x1C840] =	vst v63  }
0x3b: {  	v0 =	vld [tilespmem:$0x40];
	_ =	sdelay $0x6  }
0x3c: {  	s19 =	simm.s32 $0x1640  }
0x3d: {  	[tilespmem:s19], [sflag:$0x5] =	stream.indirect_vreg.gather [hbm4b:s5+s3], $0x40, v0, vm0, $0xb8;
	[tilespmem:$0x1C840] =	vst v63  }
0x3e: {  	v0 =	vld [tilespmem:$0x50];
	_ =	sdelay $0x6  }
0x3f: {  	s10 =	simm.s32 $0x1A40  }
0x40: {  	[tilespmem:s10], [sflag:$0x5] =	stream.indirect_vreg.gather [hbm4b:s5+s3], $0x40, v0, vm0, $0xb8;
	[tilespmem:$0x1C840] =	vst v63  }
0x41: {  	v0 =	vld [tilespmem:$0x60];
	_ =	sdelay $0x6  }
0x42: {  	s11 =	simm.s32 $0x1E40  }
0x43: {  	[tilespmem:s11], [sflag:$0x5] =	stream.indirect_vreg.gather [hbm4b:s5+s3], $0x40, v0, vm0, $0xb8;
	[tilespmem:$0x1C840] =	vst v63  }
0x44: {  	v0 =	vld [tilespmem:$0x70];
	_ =	sdelay $0x6  }
0x45: {  	s12 =	simm.s32 $0x2240  }
0x46: {  	[tilespmem:s12], [sflag:$0x5] =	stream.indirect_vreg.gather [hbm4b:s5+s3], $0x40, v0, vm0, $0xb8;
	[tilespmem:$0x1C840] =	vst v63  }
0x47: {  	v0 =	vld [tilespmem:$0x80];
	_ =	sdelay $0x6  }
0x48: {  	s19 =	simm.s32 $0x2640  }
0x49: {  	[tilespmem:s19], [sflag:$0x5] =	stream.indirect_vreg.gather [hbm4b:s5+s3], $0x40, v0, vm0, $0xb8;
	[tilespmem:$0x1C840] =	vst v63  }
0x4a: {  	v0 =	vld [tilespmem:$0x90];
	_ =	sdelay $0x6  }
0x4b: {  	s10 =	simm.s32 $0x2A40  }
0x4c: {  	[tilespmem:s10], [sflag:$0x5] =	stream.indirect_vreg.gather [hbm4b:s5+s3], $0x40, v0, vm0, $0xb8;
	[tilespmem:$0x1C840] =	vst v63  }
0x4d: {  	v0 =	vld [tilespmem:$0xA0];
	_ =	sdelay $0x6  }
0x4e: {  	s11 =	simm.s32 $0x2E40  }
0x4f: {  	[tilespmem:s11], [sflag:$0x5] =	stream.indirect_vreg.gather [hbm4b:s5+s3], $0x40, v0, vm0, $0xb8;
	[tilespmem:$0x1C840] =	vst v63  }
0x50: {  	v0 =	vld [tilespmem:$0xB0];
	_ =	sdelay $0x6  }
0x51: {  	s12 =	simm.s32 $0x3240  }
0x52: {  	[tilespmem:s12], [sflag:$0x5] =	stream.indirect_vreg.gather [hbm4b:s5+s3], $0x40, v0, vm0, $0xb8;
	[tilespmem:$0x1C840] =	vst v63  }
0x53: {  	v0 =	vld [tilespmem:$0xC0];
	_ =	sdelay $0x6  }
0x54: {  	s19 =	simm.s32 $0x3640  }
0x55: {  	[tilespmem:s19], [sflag:$0x5] =	stream.indirect_vreg.gather [hbm4b:s5+s3], $0x40, v0, vm0, $0xb8;
	[tilespmem:$0x1C840] =	vst v63  }
0x56: {  	v0 =	vld [tilespmem:$0xD0];
	_ =	sdelay $0x6  }
0x57: {  	s10 =	simm.s32 $0x3A40  }
0x58: {  	[tilespmem:s10], [sflag:$0x5] =	stream.indirect_vreg.gather [hbm4b:s5+s3], $0x40, v0, vm0, $0xb8;
	[tilespmem:$0x1C840] =	vst v63  }
0x59: {  	v0 =	vld [tilespmem:$0xE0];
	_ =	sdelay $0x6  }
0x5a: {  	s11 =	simm.s32 $0x3E40  }
0x5b: {  	[tilespmem:s11], [sflag:$0x5] =	stream.indirect_vreg.gather [hbm4b:s5+s3], $0x40, v0, vm0, $0xb8;
	[tilespmem:$0x1C840] =	vst v63  }
0x5c: {  	v0 =	vld [tilespmem:$0xF0];
	_ =	sdelay $0x6  }
0x5d: {  	s12 =	simm.s32 $0x4240  }
0x5e: {  	[tilespmem:s12], [sflag:$0x5] =	stream.indirect_vreg.gather [hbm4b:s5+s3], $0x40, v0, vm0, $0xb8;
	[tilespmem:$0x1C840] =	vst v63  }
0x5f: {  	v0 =	vld [tilespmem:$0x100];
	_ =	sdelay $0x6  }
0x60: {  	s19 =	simm.s32 $0x4640  }
0x61: {  	[tilespmem:s19], [sflag:$0x5] =	stream.indirect_vreg.gather [hbm4b:s5+s3], $0x40, v0, vm0, $0xb8;
	[tilespmem:$0x1C840] =	vst v63  }
0x62: {  	v0 =	vld [tilespmem:$0x110];
	_ =	sdelay $0x6  }
0x63: {  	s10 =	simm.s32 $0x4A40  }
0x64: {  	[tilespmem:s10], [sflag:$0x5] =	stream.indirect_vreg.gather [hbm4b:s5+s3], $0x40, v0, vm0, $0xb8;
	[tilespmem:$0x1C840] =	vst v63  }
0x65: {  	v0 =	vld [tilespmem:$0x120];
	_ =	sdelay $0x6  }
0x66: {  	s11 =	simm.s32 $0x4E40  }
0x67: {  	[tilespmem:s11], [sflag:$0x5] =	stream.indirect_vreg.gather [hbm4b:s5+s3], $0x40, v0, vm0, $0xb8;
	[tilespmem:$0x1C840] =	vst v63  }
0x68: {  	v0 =	vld [tilespmem:$0x130];
	_ =	sdelay $0x6  }
0x69: {  	s12 =	simm.s32 $0x5240  }
0x6a: {  	[tilespmem:s12], [sflag:$0x5] =	stream.indirect_vreg.gather [hbm4b:s5+s3], $0x40, v0, vm0, $0xb8;
	[tilespmem:$0x1C840] =	vst v63  }
0x6b: {  	v0 =	vld [tilespmem:$0x140];
	_ =	sdelay $0x6  }
0x6c: {  	s19 =	simm.s32 $0x5640  }
0x6d: {  	[tilespmem:s19], [sflag:$0x5] =	stream.indirect_vreg.gather [hbm4b:s5+s3], $0x40, v0, vm0, $0xb8;
	[tilespmem:$0x1C840] =	vst v63  }
0x6e: {  	v0 =	vld [tilespmem:$0x150];
	_ =	sdelay $0x6  }
0x6f: {  	s10 =	simm.s32 $0x5A40  }
0x70: {  	[tilespmem:s10], [sflag:$0x5] =	stream.indirect_vreg.gather [hbm4b:s5+s3], $0x40, v0, vm0, $0xb8;
	[tilespmem:$0x1C840] =	vst v63  }
0x71: {  	v0 =	vld [tilespmem:$0x160];
	_ =	sdelay $0x6  }
0x72: {  	s11 =	simm.s32 $0x5E40  }
0x73: {  	[tilespmem:s11], [sflag:$0x5] =	stream.indirect_vreg.gather [hbm4b:s5+s3], $0x40, v0, vm0, $0xb8;
	[tilespmem:$0x1C840] =	vst v63  }
0x74: {  	v0 =	vld [tilespmem:$0x170];
	_ =	sdelay $0x6  }
0x75: {  	s12 =	simm.s32 $0x6240  }
0x76: {  	[tilespmem:s12], [sflag:$0x5] =	stream.indirect_vreg.gather [hbm4b:s5+s3], $0x40, v0, vm0, $0xb8;
	[tilespmem:$0x1C840] =	vst v63  }
0x77: {  	v0 =	vld [tilespmem:$0x180];
	_ =	sdelay $0x6  }
0x78: {  	s19 =	simm.s32 $0x6640  }
0x79: {  	[tilespmem:s19], [sflag:$0x5] =	stream.indirect_vreg.gather [hbm4b:s5+s3], $0x40, v0, vm0, $0xb8;
	[tilespmem:$0x1C840] =	vst v63  }
0x7a: {  	_ =	swait.ge [sflag:s22], $0x190  }
0x7b: {  	[sflag:s22] =	ssyncset.done $0x0  }
0x7c: {  	[sflag:s22] =	ssyncadd.s32 $0xFFFFFE70  }
0x7d: {  	v63 =	vld [tilespmem:$0x190];
	_ =	sdelay $0x7  }
0x7e: {  	[tilespmem:s23], [sflag:$0x6] =	stream.indirect_vreg.gather [hbm4b:s5+s3], $0x40, v63, vm0, $0xb8;
	[tilespmem:$0x1C840] =	vst v63  }
0x7f: {  	v0 =	vld [tilespmem:$0x1A0];
	_ =	sdelay $0x6  }
0x80: {  	s10 =	simm.s32 $0x6E40  }
0x81: {  	[tilespmem:s10], [sflag:$0x6] =	stream.indirect_vreg.gather [hbm4b:s5+s3], $0x40, v0, vm0, $0xb8;
	[tilespmem:$0x1C840] =	vst v63  }
0x82: {  	v0 =	vld [tilespmem:$0x1B0];
	_ =	sdelay $0x6  }
0x83: {  	s11 =	simm.s32 $0x7240  }
0x84: {  	[tilespmem:s11], [sflag:$0x6] =	stream.indirect_vreg.gather [hbm4b:s5+s3], $0x40, v0, vm0, $0xb8;
	[tilespmem:$0x1C840] =	vst v63  }
0x85: {  	v0 =	vld [tilespmem:$0x1C0];
	_ =	sdelay $0x6  }
0x86: {  	s12 =	simm.s32 $0x7640  }
0x87: {  	[tilespmem:s12], [sflag:$0x6] =	stream.indirect_vreg.gather [hbm4b:s5+s3], $0x40, v0, vm0, $0xb8;
	[tilespmem:$0x1C840] =	vst v63  }
0x88: {  	v0 =	vld [tilespmem:$0x1D0];
	_ =	sdelay $0x6  }
0x89: {  	s19 =	simm.s32 $0x7A40  }
0x8a: {  	[tilespmem:s19], [sflag:$0x6] =	stream.indirect_vreg.gather [hbm4b:s5+s3], $0x40, v0, vm0, $0xb8;
	[tilespmem:$0x1C840] =	vst v63  }
0x8b: {  	v0 =	vld [tilespmem:$0x1E0];
	_ =	sdelay $0x6  }
0x8c: {  	s10 =	simm.s32 $0x7E40  }
0x8d: {  	[tilespmem:s10], [sflag:$0x6] =	stream.indirect_vreg.gather [hbm4b:s5+s3], $0x40, v0, vm0, $0xb8;
	[tilespmem:$0x1C840] =	vst v63  }
0x8e: {  	v0 =	vld [tilespmem:$0x1F0];
	_ =	sdelay $0x6  }
0x8f: {  	s11 =	simm.s32 $0x8240  }
0x90: {  	[tilespmem:s11], [sflag:$0x6] =	stream.indirect_vreg.gather [hbm4b:s5+s3], $0x40, v0, vm0, $0xb8;
	[tilespmem:$0x1C840] =	vst v63  }
0x91: {  	v0 =	vld [tilespmem:$0x200];
	_ =	sdelay $0x6  }
0x92: {  	s12 =	simm.s32 $0x8640  }
0x93: {  	[tilespmem:s12], [sflag:$0x6] =	stream.indirect_vreg.gather [hbm4b:s5+s3], $0x40, v0, vm0, $0xb8;
	[tilespmem:$0x1C840] =	vst v63  }
0x94: {  	v0 =	vld [tilespmem:$0x210];
	_ =	sdelay $0x6  }
0x95: {  	s19 =	simm.s32 $0x8A40  }
0x96: {  	[tilespmem:s19], [sflag:$0x6] =	stream.indirect_vreg.gather [hbm4b:s5+s3], $0x40, v0, vm0, $0xb8;
	[tilespmem:$0x1C840] =	vst v63  }
0x97: {  	v0 =	vld [tilespmem:$0x220];
	_ =	sdelay $0x6  }
0x98: {  	s10 =	simm.s32 $0x8E40  }
0x99: {  	[tilespmem:s10], [sflag:$0x6] =	stream.indirect_vreg.gather [hbm4b:s5+s3], $0x40, v0, vm0, $0xb8;
	[tilespmem:$0x1C840] =	vst v63  }
0x9a: {  	v0 =	vld [tilespmem:$0x230];
	_ =	sdelay $0x6  }
0x9b: {  	s11 =	simm.s32 $0x9240  }
0x9c: {  	[tilespmem:s11], [sflag:$0x6] =	stream.indirect_vreg.gather [hbm4b:s5+s3], $0x40, v0, vm0, $0xb8;
	[tilespmem:$0x1C840] =	vst v63  }
0x9d: {  	v0 =	vld [tilespmem:$0x240];
	_ =	sdelay $0x6  }
0x9e: {  	s12 =	simm.s32 $0x9640  }
0x9f: {  	[tilespmem:s12], [sflag:$0x6] =	stream.indirect_vreg.gather [hbm4b:s5+s3], $0x40, v0, vm0, $0xb8;
	[tilespmem:$0x1C840] =	vst v63  }
0xa0: {  	v0 =	vld [tilespmem:$0x250];
	_ =	sdelay $0x6  }
0xa1: {  	s19 =	simm.s32 $0x9A40  }
0xa2: {  	[tilespmem:s19], [sflag:$0x6] =	stream.indirect_vreg.gather [hbm4b:s5+s3], $0x40, v0, vm0, $0xb8;
	[tilespmem:$0x1C840] =	vst v63  }
0xa3: {  	v0 =	vld [tilespmem:$0x260];
	_ =	sdelay $0x6  }
0xa4: {  	s10 =	simm.s32 $0x9E40  }
0xa5: {  	[tilespmem:s10], [sflag:$0x6] =	stream.indirect_vreg.gather [hbm4b:s5+s3], $0x40, v0, vm0, $0xb8;
	[tilespmem:$0x1C840] =	vst v63  }
0xa6: {  	v0 =	vld [tilespmem:$0x270];
	_ =	sdelay $0x6  }
0xa7: {  	s11 =	simm.s32 $0xA240  }
0xa8: {  	[tilespmem:s11], [sflag:$0x6] =	stream.indirect_vreg.gather [hbm4b:s5+s3], $0x40, v0, vm0, $0xb8;
	[tilespmem:$0x1C840] =	vst v63  }
0xa9: {  	v0 =	vld [tilespmem:$0x280];
	_ =	sdelay $0x6  }
0xaa: {  	s12 =	simm.s32 $0xA640  }
0xab: {  	[tilespmem:s12], [sflag:$0x6] =	stream.indirect_vreg.gather [hbm4b:s5+s3], $0x40, v0, vm0, $0xb8;
	[tilespmem:$0x1C840] =	vst v63  }
0xac: {  	v0 =	vld [tilespmem:$0x290];
	_ =	sdelay $0x6  }
0xad: {  	s19 =	simm.s32 $0xAA40  }
0xae: {  	[tilespmem:s19], [sflag:$0x6] =	stream.indirect_vreg.gather [hbm4b:s5+s3], $0x40, v0, vm0, $0xb8;
	[tilespmem:$0x1C840] =	vst v63  }
0xaf: {  	v0 =	vld [tilespmem:$0x2A0];
	_ =	sdelay $0x6  }
0xb0: {  	s10 =	simm.s32 $0xAE40  }
0xb1: {  	[tilespmem:s10], [sflag:$0x6] =	stream.indirect_vreg.gather [hbm4b:s5+s3], $0x40, v0, vm0, $0xb8;
	[tilespmem:$0x1C840] =	vst v63  }
0xb2: {  	v0 =	vld [tilespmem:$0x2B0];
	_ =	sdelay $0x6  }
0xb3: {  	s11 =	simm.s32 $0xB240  }
0xb4: {  	[tilespmem:s11], [sflag:$0x6] =	stream.indirect_vreg.gather [hbm4b:s5+s3], $0x40, v0, vm0, $0xb8;
	[tilespmem:$0x1C840] =	vst v63  }
0xb5: {  	v0 =	vld [tilespmem:$0x2C0];
	_ =	sdelay $0x6  }
0xb6: {  	s12 =	simm.s32 $0xB640  }
0xb7: {  	[tilespmem:s12], [sflag:$0x6] =	stream.indirect_vreg.gather [hbm4b:s5+s3], $0x40, v0, vm0, $0xb8;
	[tilespmem:$0x1C840] =	vst v63  }
0xb8: {  	v0 =	vld [tilespmem:$0x2D0];
	_ =	sdelay $0x6  }
0xb9: {  	s19 =	simm.s32 $0xBA40  }
0xba: {  	[tilespmem:s19], [sflag:$0x6] =	stream.indirect_vreg.gather [hbm4b:s5+s3], $0x40, v0, vm0, $0xb8;
	[tilespmem:$0x1C840] =	vst v63  }
0xbb: {  	v0 =	vld [tilespmem:$0x2E0];
	_ =	sdelay $0x6  }
0xbc: {  	s10 =	simm.s32 $0xBE40  }
0xbd: {  	[tilespmem:s10], [sflag:$0x6] =	stream.indirect_vreg.gather [hbm4b:s5+s3], $0x40, v0, vm0, $0xb8;
	[tilespmem:$0x1C840] =	vst v63  }
0xbe: {  	v0 =	vld [tilespmem:$0x2F0];
	_ =	sdelay $0x6  }
0xbf: {  	s11 =	simm.s32 $0xC240  }
0xc0: {  	[tilespmem:s11], [sflag:$0x6] =	stream.indirect_vreg.gather [hbm4b:s5+s3], $0x40, v0, vm0, $0xb8;
	[tilespmem:$0x1C840] =	vst v63  }
0xc1: {  	v0 =	vld [tilespmem:$0x300];
	_ =	sdelay $0x6  }
0xc2: {  	s12 =	simm.s32 $0xC640  }
0xc3: {  	[tilespmem:s12], [sflag:$0x6] =	stream.indirect_vreg.gather [hbm4b:s5+s3], $0x40, v0, vm0, $0xb8;
	[tilespmem:$0x1C840] =	vst v63  }
0xc4: {  	v0 =	vld [tilespmem:$0x310];
	_ =	sdelay $0x6  }
0xc5: {  	s7 =	simm.s32 $0x0;
	s19 =	simm.s32 $0xCA40  }
0xc6: {  	[tilespmem:s19], [sflag:$0x6] =	stream.indirect_vreg.gather [hbm4b:s5+s3], $0x40, v0, vm0, $0xb8;
	[tilespmem:$0x1C840] =	vst v63  }
.LBB2_2:
0xc7: {  	_ =	swait.ge [sflag:s29], $0x400  }
0xc8: {  	[sflag:s29] =	ssyncset.done $0x0  }
0xc9: {  	[sflag:s29] =	ssyncadd.s32 $0xFFFFFC00  }
0xca: {  	_ =	swait.ge [sflag:s29], $0x400  }
0xcb: {  	[sflag:s29] =	ssyncset.done $0x0  }
0xcc: {  	[sflag:s29] =	ssyncadd.s32 $0xFFFFFC00  }
0xcd: {  	_ =	swait.ge [sflag:s29], $0x400  }
0xce: {  	[sflag:s29] =	ssyncset.done $0x0  }
0xcf: {  	[sflag:s29] =	ssyncadd.s32 $0xFFFFFC00  }
0xd0: {  	_ =	swait.ge [sflag:s29], $0x400  }
0xd1: {  	[sflag:s29] =	ssyncset.done $0x0  }
0xd2: {  	[sflag:s29] =	ssyncadd.s32 $0xFFFFFC00  }
0xd3: {  	_ =	swait.ge [sflag:s29], $0x400  }
0xd4: {  	[sflag:s29] =	ssyncset.done $0x0  }
0xd5: {  	[sflag:s29] =	ssyncadd.s32 $0xFFFFFC00  }
0xd6: {  	_ =	swait.ge [sflag:s29], $0x400  }
0xd7: {  	[sflag:s29] =	ssyncset.done $0x0  }
0xd8: {  	[sflag:s29] =	ssyncadd.s32 $0xFFFFFC00  }
0xd9: {  	_ =	swait.ge [sflag:s29], $0x400  }
0xda: {  	[sflag:s29] =	ssyncset.done $0x0  }
0xdb: {  	[sflag:s29] =	ssyncadd.s32 $0xFFFFFC00  }
0xdc: {  	_ =	swait.ge [sflag:s29], $0x400  }
0xdd: {  	[sflag:s29] =	ssyncset.done $0x0  }
0xde: {  	[sflag:s29] =	ssyncadd.s32 $0xFFFFFC00  }
0xdf: {  	_ =	swait.ge [sflag:s29], $0x400  }
0xe0: {  	[sflag:s29] =	ssyncset.done $0x0  }
0xe1: {  	[sflag:s29] =	ssyncadd.s32 $0xFFFFFC00  }
0xe2: {  	_ =	swait.ge [sflag:s29], $0x400  }
0xe3: {  	[sflag:s29] =	ssyncset.done $0x0  }
0xe4: {  	[sflag:s29] =	ssyncadd.s32 $0xFFFFFC00  }
0xe5: {  	_ =	swait.ge [sflag:s29], $0x400  }
0xe6: {  	[sflag:s29] =	ssyncset.done $0x0  }
0xe7: {  	[sflag:s29] =	ssyncadd.s32 $0xFFFFFC00  }
0xe8: {  	_ =	swait.ge [sflag:s29], $0x400  }
0xe9: {  	[sflag:s29] =	ssyncset.done $0x0  }
0xea: {  	[sflag:s29] =	ssyncadd.s32 $0xFFFFFC00  }
0xeb: {  	_ =	swait.ge [sflag:s29], $0x400  }
0xec: {  	[sflag:s29] =	ssyncset.done $0x0  }
0xed: {  	[sflag:s29] =	ssyncadd.s32 $0xFFFFFC00  }
0xee: {  	_ =	swait.ge [sflag:s29], $0x400  }
0xef: {  	[sflag:s29] =	ssyncset.done $0x0  }
0xf0: {  	[sflag:s29] =	ssyncadd.s32 $0xFFFFFC00  }
0xf1: {  	_ =	swait.ge [sflag:s29], $0x400  }
0xf2: {  	[sflag:s29] =	ssyncset.done $0x0  }
0xf3: {  	[sflag:s29] =	ssyncadd.s32 $0xFFFFFC00  }
0xf4: {  	_ =	swait.ge [sflag:s29], $0x400  }
0xf5: {  	[sflag:s29] =	ssyncset.done $0x0  }
0xf6: {  	[sflag:s29] =	ssyncadd.s32 $0xFFFFFC00  }
0xf7: {  	_ =	swait.ge [sflag:s29], $0x400  }
0xf8: {  	[sflag:s29] =	ssyncset.done $0x0  }
0xf9: {  	[sflag:s29] =	ssyncadd.s32 $0xFFFFFC00  }
0xfa: {  	_ =	swait.ge [sflag:s29], $0x400  }
0xfb: {  	[sflag:s29] =	ssyncset.done $0x0  }
0xfc: {  	[sflag:s29] =	ssyncadd.s32 $0xFFFFFC00  }
0xfd: {  	_ =	swait.ge [sflag:s29], $0x400  }
0xfe: {  	[sflag:s29] =	ssyncset.done $0x0  }
0xff: {  	[sflag:s29] =	ssyncadd.s32 $0xFFFFFC00  }
0x100: {  	_ =	swait.ge [sflag:s29], $0x400  }
0x101: {  	[sflag:s29] =	ssyncset.done $0x0  }
0x102: {  	[sflag:s29] =	ssyncadd.s32 $0xFFFFFC00  }
0x103: {  	_ =	swait.ge [sflag:s29], $0x400  }
0x104: {  	[sflag:s29] =	ssyncset.done $0x0  }
0x105: {  	[sflag:s29] =	ssyncadd.s32 $0xFFFFFC00  }
0x106: {  	_ =	swait.ge [sflag:s29], $0x400  }
0x107: {  	[sflag:s29] =	ssyncset.done $0x0  }
0x108: {  	[sflag:s29] =	ssyncadd.s32 $0xFFFFFC00  }
0x109: {  	_ =	swait.ge [sflag:s29], $0x400  }
0x10a: {  	[sflag:s29] =	ssyncset.done $0x0  }
0x10b: {  	[sflag:s29] =	ssyncadd.s32 $0xFFFFFC00  }
0x10c: {  	p0 =	seq.s32 s7, $0xF;
	_ =	swait.ge [sflag:s29], $0x400  }
0x10d: {  	s10 =	smul.u32 @!p0 $0x640, s7;
	[sflag:s29] =	ssyncset.done $0x0  }
0x10e: {  	[sflag:s29] =	ssyncadd.s32 $0xFFFFFC00  }
0x10f: {  	s10 =	sadd.s32 @!p0 s10, s13;
	_ =	swait.ge [sflag:s29], $0x400  }
0x110: {  	s10 =	sshrl.u32 @!p0 s10, $0x3;
	[sflag:s29] =	ssyncset.done $0x0  }
0x111: {  	s11 =	simm.s32 @!p0 $0x0;
	s10 =	sadd.s32 @!p0 s6, s10;
	[sflag:s29] =	ssyncadd.s32 $0xFFFFFC00  }
0x112: {  	[tilespmem:s11], [sflag:$0x1] =	stream.linear.gather @!p0 [hbm4b:s10+s11], $0x190, $0x38;
	[tilespmem:$0x1C840] =	vst v63  }
0x113: {  	s10 =	simm.s32 $0x0  }
0x114: {  	v0 =	vld [tilespmem:s10+$0x19670]  }
0x115: {  	v1 =	vld [tilespmem:s10+$0x19640];
	_ =	sdelay $0x1  }
0x116: {  	v2 =	vld [tilespmem:s10+$0x19650]  }
0x117: {  	v3 =	vld [tilespmem:s10+$0x19660]  }
0x118: {  	[tilespmem:s10+$0x3870] =	vst.add.f32.msk $0xffff, v0  }
0x119: {  	[tilespmem:s10+$0x640] =	vst.add.f32.msk $0xffff, v1  }
0x11a: {  	[tilespmem:s10+$0x3840] =	vst.add.f32.msk $0xffff, v1  }
0x11b: {  	[tilespmem:s10+$0x650] =	vst.add.f32.msk $0xffff, v2  }
0x11c: {  	[tilespmem:s10+$0x3850] =	vst.add.f32.msk $0xffff, v2  }
0x11d: {  	[tilespmem:s10+$0x660] =	vst.add.f32.msk $0xffff, v3  }
0x11e: {  	s12 =	simm.s32 $0x200;
	s11 =	simm.s32 $0x40;
	[tilespmem:s10+$0x3860] =	vst.add.f32.msk $0xffff, v3  }
.LBB2_3:
0x11f: {  	p1 =	sne.s32 s12, $0xC700;
	v1 =	vld [tilespmem:s11+$0x19670]  }
0x120: {  	v2 =	vld [tilespmem:s11+$0x19640]  }
0x121: {  	v3 =	vld [tilespmem:s11+$0x19650]  }
0x122: {  	v4 =	vld [tilespmem:s11+$0x19660]  }
0x123: {  	[tilespmem:s10+$0x670] =	vst.add.f32.msk $0xffff, v0;
	s10 =	smov.u32 s11  }
0x124: {  	[tilespmem:s10+$0x3870] =	vst.add.f32.msk $0xffff, v1;
	v0 =	vmov v1  }
0x125: {  	[tilespmem:s10+$0x640] =	vst.add.f32.msk $0xffff, v2  }
.Ltmp2:
0x126: {  	[tilespmem:s10+$0x3840] =	vst.add.f32.msk $0xffff, v2;
	(pc) =	sbr.rel @p1 .LBB2_3-.Ltmp2, $4  }
0x127: {  	[tilespmem:s10+$0x650] =	vst.add.f32.msk $0xffff, v3  }
0x128: {  	[tilespmem:s10+$0x3850] =	vst.add.f32.msk $0xffff, v3  }
0x129: {  	[tilespmem:s10+$0x660] =	vst.add.f32.msk $0xffff, v4  }
0x12a: {  	s11 =	sshra.s32 s12, $0x2;
	s12 =	sadd.s32 $0x100, s12;
	[tilespmem:s10+$0x3860] =	vst.add.f32.msk $0xffff, v4  }
0x12b: {  	v1 =	vld [tilespmem:s11+$0x19670]  }
0x12c: {  	v2 =	vld [tilespmem:s11+$0x19640]  }
0x12d: {  	v3 =	vld [tilespmem:s11+$0x19650]  }
0x12e: {  	v4 =	vld [tilespmem:s11+$0x19660]  }
0x12f: {  	[tilespmem:s10+$0x670] =	vst.add.f32.msk $0xffff, v0  }
0x130: {  	[tilespmem:s11+$0x3870] =	vst.add.f32.msk $0xffff, v1  }
0x131: {  	[tilespmem:s11+$0x640] =	vst.add.f32.msk $0xffff, v2  }
0x132: {  	[tilespmem:s11+$0x3840] =	vst.add.f32.msk $0xffff, v2  }
0x133: {  	s10 =	smul.u32 $0x640, s7;
	[tilespmem:s11+$0x650] =	vst.add.f32.msk $0xffff, v3  }
0x134: {  	[tilespmem:s11+$0x3850] =	vst.add.f32.msk $0xffff, v3  }
0x135: {  	s12 =	sadd.s32 s4, s10;
	[tilespmem:s11+$0x660] =	vst.add.f32.msk $0xffff, v4  }
0x136: {  	p1 =	seq.s32 s7, $0x0;
	s12 =	sshll.u32 s12, $0x3;
	[tilespmem:s11+$0x3860] =	vst.add.f32.msk $0xffff, v4  }
0x137: {  	s19 =	sadd.s32 s2, s12;
	[tilespmem:s11+$0x670] =	vst.add.f32.msk $0xffff, v1;
	s11 =	simm.s32 @!p1 $0xB  }
0x138: {  	[hbm4b:s19+s3] =	stream.linear.scatter [tilespmem:s26], [sflag:$0x9], $0x6400, $0x38;
	[tilespmem:$0x1C840] =	vst v63  }
0x139: {  	_ =	swait.ge @!p1 [sflag:s11], $0x6400  }
0x13a: {  	[sflag:s11] =	ssyncset.done @!p1 $0x0  }
0x13b: {  	[sflag:s11] =	ssyncadd.s32 @!p1 $0xFFFF9C00  }
0x13c: {  	_ =	swait.ge [sflag:s30], $0x190  }
0x13d: {  	[sflag:s30] =	ssyncset.done $0x0  }
0x13e: {  	[sflag:s30] =	ssyncadd.s32 $0xFFFFFE70  }
0x13f: {  	v0 =	vld [tilespmem:$0x320];
	_ =	sdelay $0x7  }
0x140: {  	[tilespmem:s31], [sflag:$0x7] =	stream.indirect_vreg.gather [hbm4b:s5+s3], $0x40, v0, vm0, $0xb8;
	[tilespmem:$0x1C840] =	vst v63  }
0x141: {  	v0 =	vld [tilespmem:$0x330];
	_ =	sdelay $0x6  }
0x142: {  	s12 =	simm.s32 $0xD240  }
0x143: {  	[tilespmem:s12], [sflag:$0x7] =	stream.indirect_vreg.gather [hbm4b:s5+s3], $0x40, v0, vm0, $0xb8;
	[tilespmem:$0x1C840] =	vst v63  }
0x144: {  	v0 =	vld [tilespmem:$0x340];
	_ =	sdelay $0x6  }
0x145: {  	s19 =	simm.s32 $0xD640  }
0x146: {  	[tilespmem:s19], [sflag:$0x7] =	stream.indirect_vreg.gather [hbm4b:s5+s3], $0x40, v0, vm0, $0xb8;
	[tilespmem:$0x1C840] =	vst v63  }
0x147: {  	v0 =	vld [tilespmem:$0x350];
	_ =	sdelay $0x6  }
0x148: {  	s12 =	simm.s32 $0xDA40  }
0x149: {  	[tilespmem:s12], [sflag:$0x7] =	stream.indirect_vreg.gather [hbm4b:s5+s3], $0x40, v0, vm0, $0xb8;
	[tilespmem:$0x1C840] =	vst v63  }
0x14a: {  	v0 =	vld [tilespmem:$0x360];
	_ =	sdelay $0x6  }
0x14b: {  	s19 =	simm.s32 $0xDE40  }
0x14c: {  	[tilespmem:s19], [sflag:$0x7] =	stream.indirect_vreg.gather [hbm4b:s5+s3], $0x40, v0, vm0, $0xb8;
	[tilespmem:$0x1C840] =	vst v63  }
0x14d: {  	v0 =	vld [tilespmem:$0x370];
	_ =	sdelay $0x6  }
0x14e: {  	s12 =	simm.s32 $0xE240  }
0x14f: {  	[tilespmem:s12], [sflag:$0x7] =	stream.indirect_vreg.gather [hbm4b:s5+s3], $0x40, v0, vm0, $0xb8;
	[tilespmem:$0x1C840] =	vst v63  }
0x150: {  	v0 =	vld [tilespmem:$0x380];
	_ =	sdelay $0x6  }
0x151: {  	s19 =	simm.s32 $0xE640  }
0x152: {  	[tilespmem:s19], [sflag:$0x7] =	stream.indirect_vreg.gather [hbm4b:s5+s3], $0x40, v0, vm0, $0xb8;
	[tilespmem:$0x1C840] =	vst v63  }
0x153: {  	v0 =	vld [tilespmem:$0x390];
	_ =	sdelay $0x6  }
0x154: {  	s12 =	simm.s32 $0xEA40  }
0x155: {  	[tilespmem:s12], [sflag:$0x7] =	stream.indirect_vreg.gather [hbm4b:s5+s3], $0x40, v0, vm0, $0xb8;
	[tilespmem:$0x1C840] =	vst v63  }
0x156: {  	v0 =	vld [tilespmem:$0x3A0];
	_ =	sdelay $0x6  }
0x157: {  	s19 =	simm.s32 $0xEE40  }
0x158: {  	[tilespmem:s19], [sflag:$0x7] =	stream.indirect_vreg.gather [hbm4b:s5+s3], $0x40, v0, vm0, $0xb8;
	[tilespmem:$0x1C840] =	vst v63  }
0x159: {  	v0 =	vld [tilespmem:$0x3B0];
	_ =	sdelay $0x6  }
0x15a: {  	s12 =	simm.s32 $0xF240  }
0x15b: {  	[tilespmem:s12], [sflag:$0x7] =	stream.indirect_vreg.gather [hbm4b:s5+s3], $0x40, v0, vm0, $0xb8;
	[tilespmem:$0x1C840] =	vst v63  }
0x15c: {  	v0 =	vld [tilespmem:$0x3C0];
	_ =	sdelay $0x6  }
0x15d: {  	s19 =	simm.s32 $0xF640  }
0x15e: {  	[tilespmem:s19], [sflag:$0x7] =	stream.indirect_vreg.gather [hbm4b:s5+s3], $0x40, v0, vm0, $0xb8;
	[tilespmem:$0x1C840] =	vst v63  }
0x15f: {  	v0 =	vld [tilespmem:$0x3D0];
	_ =	sdelay $0x6  }
0x160: {  	s12 =	simm.s32 $0xFA40  }
0x161: {  	[tilespmem:s12], [sflag:$0x7] =	stream.indirect_vreg.gather [hbm4b:s5+s3], $0x40, v0, vm0, $0xb8;
	[tilespmem:$0x1C840] =	vst v63  }
0x162: {  	v0 =	vld [tilespmem:$0x3E0];
	_ =	sdelay $0x6  }
0x163: {  	s19 =	simm.s32 $0xFE40  }
0x164: {  	[tilespmem:s19], [sflag:$0x7] =	stream.indirect_vreg.gather [hbm4b:s5+s3], $0x40, v0, vm0, $0xb8;
	[tilespmem:$0x1C840] =	vst v63  }
0x165: {  	v0 =	vld [tilespmem:$0x3F0];
	_ =	sdelay $0x6  }
0x166: {  	s12 =	simm.s32 $0x10240  }
0x167: {  	[tilespmem:s12], [sflag:$0x7] =	stream.indirect_vreg.gather [hbm4b:s5+s3], $0x40, v0, vm0, $0xb8;
	[tilespmem:$0x1C840] =	vst v63  }
0x168: {  	v0 =	vld [tilespmem:$0x400];
	_ =	sdelay $0x6  }
0x169: {  	s19 =	simm.s32 $0x10640  }
0x16a: {  	[tilespmem:s19], [sflag:$0x7] =	stream.indirect_vreg.gather [hbm4b:s5+s3], $0x40, v0, vm0, $0xb8;
	[tilespmem:$0x1C840] =	vst v63  }
0x16b: {  	v0 =	vld [tilespmem:$0x410];
	_ =	sdelay $0x6  }
0x16c: {  	s12 =	simm.s32 $0x10A40  }
0x16d: {  	[tilespmem:s12], [sflag:$0x7] =	stream.indirect_vreg.gather [hbm4b:s5+s3], $0x40, v0, vm0, $0xb8;
	[tilespmem:$0x1C840] =	vst v63  }
0x16e: {  	v0 =	vld [tilespmem:$0x420];
	_ =	sdelay $0x6  }
0x16f: {  	s19 =	simm.s32 $0x10E40  }
0x170: {  	[tilespmem:s19], [sflag:$0x7] =	stream.indirect_vreg.gather [hbm4b:s5+s3], $0x40, v0, vm0, $0xb8;
	[tilespmem:$0x1C840] =	vst v63  }
0x171: {  	v0 =	vld [tilespmem:$0x430];
	_ =	sdelay $0x6  }
0x172: {  	s12 =	simm.s32 $0x11240  }
0x173: {  	[tilespmem:s12], [sflag:$0x7] =	stream.indirect_vreg.gather [hbm4b:s5+s3], $0x40, v0, vm0, $0xb8;
	[tilespmem:$0x1C840] =	vst v63  }
0x174: {  	v0 =	vld [tilespmem:$0x440];
	_ =	sdelay $0x6  }
0x175: {  	s19 =	simm.s32 $0x11640  }
0x176: {  	[tilespmem:s19], [sflag:$0x7] =	stream.indirect_vreg.gather [hbm4b:s5+s3], $0x40, v0, vm0, $0xb8;
	[tilespmem:$0x1C840] =	vst v63  }
0x177: {  	v0 =	vld [tilespmem:$0x450];
	_ =	sdelay $0x6  }
0x178: {  	s12 =	simm.s32 $0x11A40  }
0x179: {  	[tilespmem:s12], [sflag:$0x7] =	stream.indirect_vreg.gather [hbm4b:s5+s3], $0x40, v0, vm0, $0xb8;
	[tilespmem:$0x1C840] =	vst v63  }
0x17a: {  	v0 =	vld [tilespmem:$0x460];
	_ =	sdelay $0x6  }
0x17b: {  	s19 =	simm.s32 $0x11E40  }
0x17c: {  	[tilespmem:s19], [sflag:$0x7] =	stream.indirect_vreg.gather [hbm4b:s5+s3], $0x40, v0, vm0, $0xb8;
	[tilespmem:$0x1C840] =	vst v63  }
0x17d: {  	v0 =	vld [tilespmem:$0x470];
	_ =	sdelay $0x6  }
0x17e: {  	s12 =	simm.s32 $0x12240  }
0x17f: {  	[tilespmem:s12], [sflag:$0x7] =	stream.indirect_vreg.gather [hbm4b:s5+s3], $0x40, v0, vm0, $0xb8;
	[tilespmem:$0x1C840] =	vst v63  }
0x180: {  	v0 =	vld [tilespmem:$0x480];
	_ =	sdelay $0x6  }
0x181: {  	s19 =	simm.s32 $0x12640  }
0x182: {  	[tilespmem:s19], [sflag:$0x7] =	stream.indirect_vreg.gather [hbm4b:s5+s3], $0x40, v0, vm0, $0xb8;
	[tilespmem:$0x1C840] =	vst v63  }
0x183: {  	v0 =	vld [tilespmem:$0x490];
	_ =	sdelay $0x6  }
0x184: {  	s12 =	simm.s32 $0x12A40  }
0x185: {  	[tilespmem:s12], [sflag:$0x7] =	stream.indirect_vreg.gather [hbm4b:s5+s3], $0x40, v0, vm0, $0xb8;
	[tilespmem:$0x1C840] =	vst v63  }
0x186: {  	v0 =	vld [tilespmem:$0x4A0];
	_ =	sdelay $0x6  }
0x187: {  	s19 =	simm.s32 $0x12E40  }
0x188: {  	[tilespmem:s19], [sflag:$0x7] =	stream.indirect_vreg.gather [hbm4b:s5+s3], $0x40, v0, vm0, $0xb8;
	[tilespmem:$0x1C840] =	vst v63  }
0x189: {  	_ =	swait.ge [sflag:s0], $0x400  }
0x18a: {  	[sflag:s0] =	ssyncset.done $0x0  }
0x18b: {  	[sflag:s0] =	ssyncadd.s32 $0xFFFFFC00  }
0x18c: {  	_ =	swait.ge [sflag:s0], $0x400  }
0x18d: {  	[sflag:s0] =	ssyncset.done $0x0  }
0x18e: {  	[sflag:s0] =	ssyncadd.s32 $0xFFFFFC00  }
0x18f: {  	_ =	swait.ge [sflag:s0], $0x400  }
0x190: {  	[sflag:s0] =	ssyncset.done $0x0  }
0x191: {  	[sflag:s0] =	ssyncadd.s32 $0xFFFFFC00  }
0x192: {  	_ =	swait.ge [sflag:s0], $0x400  }
0x193: {  	[sflag:s0] =	ssyncset.done $0x0  }
0x194: {  	[sflag:s0] =	ssyncadd.s32 $0xFFFFFC00  }
0x195: {  	_ =	swait.ge [sflag:s0], $0x400  }
0x196: {  	[sflag:s0] =	ssyncset.done $0x0  }
0x197: {  	[sflag:s0] =	ssyncadd.s32 $0xFFFFFC00  }
0x198: {  	_ =	swait.ge [sflag:s0], $0x400  }
0x199: {  	[sflag:s0] =	ssyncset.done $0x0  }
0x19a: {  	[sflag:s0] =	ssyncadd.s32 $0xFFFFFC00  }
0x19b: {  	_ =	swait.ge [sflag:s0], $0x400  }
0x19c: {  	[sflag:s0] =	ssyncset.done $0x0  }
0x19d: {  	[sflag:s0] =	ssyncadd.s32 $0xFFFFFC00  }
0x19e: {  	_ =	swait.ge [sflag:s0], $0x400  }
0x19f: {  	[sflag:s0] =	ssyncset.done $0x0  }
0x1a0: {  	[sflag:s0] =	ssyncadd.s32 $0xFFFFFC00  }
0x1a1: {  	_ =	swait.ge [sflag:s0], $0x400  }
0x1a2: {  	[sflag:s0] =	ssyncset.done $0x0  }
0x1a3: {  	[sflag:s0] =	ssyncadd.s32 $0xFFFFFC00  }
0x1a4: {  	_ =	swait.ge [sflag:s0], $0x400  }
0x1a5: {  	[sflag:s0] =	ssyncset.done $0x0  }
0x1a6: {  	[sflag:s0] =	ssyncadd.s32 $0xFFFFFC00  }
0x1a7: {  	_ =	swait.ge [sflag:s0], $0x400  }
0x1a8: {  	[sflag:s0] =	ssyncset.done $0x0  }
0x1a9: {  	[sflag:s0] =	ssyncadd.s32 $0xFFFFFC00  }
0x1aa: {  	_ =	swait.ge [sflag:s0], $0x400  }
0x1ab: {  	[sflag:s0] =	ssyncset.done $0x0  }
0x1ac: {  	[sflag:s0] =	ssyncadd.s32 $0xFFFFFC00  }
0x1ad: {  	_ =	swait.ge [sflag:s0], $0x400  }
0x1ae: {  	[sflag:s0] =	ssyncset.done $0x0  }
0x1af: {  	[sflag:s0] =	ssyncadd.s32 $0xFFFFFC00  }
0x1b0: {  	_ =	swait.ge [sflag:s0], $0x400  }
0x1b1: {  	[sflag:s0] =	ssyncset.done $0x0  }
0x1b2: {  	[sflag:s0] =	ssyncadd.s32 $0xFFFFFC00  }
0x1b3: {  	_ =	swait.ge [sflag:s0], $0x400  }
0x1b4: {  	[sflag:s0] =	ssyncset.done $0x0  }
0x1b5: {  	[sflag:s0] =	ssyncadd.s32 $0xFFFFFC00  }
0x1b6: {  	_ =	swait.ge [sflag:s0], $0x400  }
0x1b7: {  	[sflag:s0] =	ssyncset.done $0x0  }
0x1b8: {  	[sflag:s0] =	ssyncadd.s32 $0xFFFFFC00  }
0x1b9: {  	_ =	swait.ge [sflag:s0], $0x400  }
0x1ba: {  	[sflag:s0] =	ssyncset.done $0x0  }
0x1bb: {  	[sflag:s0] =	ssyncadd.s32 $0xFFFFFC00  }
0x1bc: {  	_ =	swait.ge [sflag:s0], $0x400  }
0x1bd: {  	[sflag:s0] =	ssyncset.done $0x0  }
0x1be: {  	[sflag:s0] =	ssyncadd.s32 $0xFFFFFC00  }
0x1bf: {  	_ =	swait.ge [sflag:s0], $0x400  }
0x1c0: {  	[sflag:s0] =	ssyncset.done $0x0  }
0x1c1: {  	[sflag:s0] =	ssyncadd.s32 $0xFFFFFC00  }
0x1c2: {  	_ =	swait.ge [sflag:s0], $0x400  }
0x1c3: {  	[sflag:s0] =	ssyncset.done $0x0  }
0x1c4: {  	[sflag:s0] =	ssyncadd.s32 $0xFFFFFC00  }
0x1c5: {  	_ =	swait.ge [sflag:s0], $0x400  }
0x1c6: {  	[sflag:s0] =	ssyncset.done $0x0  }
0x1c7: {  	[sflag:s0] =	ssyncadd.s32 $0xFFFFFC00  }
0x1c8: {  	_ =	swait.ge [sflag:s0], $0x400  }
0x1c9: {  	[sflag:s0] =	ssyncset.done $0x0  }
0x1ca: {  	[sflag:s0] =	ssyncadd.s32 $0xFFFFFC00  }
0x1cb: {  	_ =	swait.ge [sflag:s0], $0x400  }
0x1cc: {  	[sflag:s0] =	ssyncset.done $0x0  }
0x1cd: {  	[sflag:s0] =	ssyncadd.s32 $0xFFFFFC00  }
0x1ce: {  	_ =	swait.ge [sflag:s0], $0x400  }
0x1cf: {  	[sflag:s0] =	ssyncset.done $0x0  }
0x1d0: {  	s11 =	sadd.s32 @!p0 s10, s14;
	[sflag:s0] =	ssyncadd.s32 $0xFFFFFC00  }
0x1d1: {  	s11 =	sshrl.u32 @!p0 s11, $0x3;
	_ =	swait.ge [sflag:s0], $0x400  }
0x1d2: {  	s11 =	sadd.s32 @!p0 s6, s11;
	[sflag:s0] =	ssyncset.done $0x0  }
0x1d3: {  	s12 =	simm.s32 @!p0 $0x0;
	s19 =	simm.s32 @!p0 $0x190;
	[sflag:s0] =	ssyncadd.s32 $0xFFFFFC00  }
0x1d4: {  	[tilespmem:s19], [sflag:$0x2] =	stream.linear.gather @!p0 [hbm4b:s11+s12], $0x190, $0x38;
	[tilespmem:$0x1C840] =	vst v63  }
0x1d5: {  	s11 =	simm.s32 $0x0  }
0x1d6: {  	v0 =	vld [tilespmem:s11+$0x19670]  }
0x1d7: {  	v1 =	vld [tilespmem:s11+$0x19640];
	_ =	sdelay $0x1  }
0x1d8: {  	v2 =	vld [tilespmem:s11+$0x19650]  }
0x1d9: {  	v3 =	vld [tilespmem:s11+$0x19660]  }
0x1da: {  	[tilespmem:s11+$0x9C70] =	vst.add.f32.msk $0xffff, v0  }
0x1db: {  	[tilespmem:s11+$0x6A40] =	vst.add.f32.msk $0xffff, v1  }
0x1dc: {  	[tilespmem:s11+$0x9C40] =	vst.add.f32.msk $0xffff, v1  }
0x1dd: {  	[tilespmem:s11+$0x6A50] =	vst.add.f32.msk $0xffff, v2  }
0x1de: {  	[tilespmem:s11+$0x9C50] =	vst.add.f32.msk $0xffff, v2  }
0x1df: {  	[tilespmem:s11+$0x6A60] =	vst.add.f32.msk $0xffff, v3  }
0x1e0: {  	s12 =	simm.s32 $0x40;
	s19 =	simm.s32 $0x200;
	[tilespmem:s11+$0x9C60] =	vst.add.f32.msk $0xffff, v3  }
.LBB2_5:
0x1e1: {  	p2 =	sne.s32 s19, $0xC700;
	v1 =	vld [tilespmem:s12+$0x19670]  }
0x1e2: {  	v2 =	vld [tilespmem:s12+$0x19640]  }
0x1e3: {  	v3 =	vld [tilespmem:s12+$0x19650]  }
0x1e4: {  	v4 =	vld [tilespmem:s12+$0x19660]  }
0x1e5: {  	[tilespmem:s11+$0x6A70] =	vst.add.f32.msk $0xffff, v0;
	s11 =	smov.u32 s12  }
0x1e6: {  	[tilespmem:s11+$0x9C70] =	vst.add.f32.msk $0xffff, v1;
	v0 =	vmov v1  }
0x1e7: {  	[tilespmem:s11+$0x6A40] =	vst.add.f32.msk $0xffff, v2  }
.Ltmp3:
0x1e8: {  	[tilespmem:s11+$0x9C40] =	vst.add.f32.msk $0xffff, v2;
	(pc) =	sbr.rel @p2 .LBB2_5-.Ltmp3, $4  }
0x1e9: {  	[tilespmem:s11+$0x6A50] =	vst.add.f32.msk $0xffff, v3  }
0x1ea: {  	[tilespmem:s11+$0x9C50] =	vst.add.f32.msk $0xffff, v3  }
0x1eb: {  	[tilespmem:s11+$0x6A60] =	vst.add.f32.msk $0xffff, v4  }
0x1ec: {  	s12 =	sshra.s32 s19, $0x2;
	s19 =	sadd.s32 $0x100, s19;
	[tilespmem:s11+$0x9C60] =	vst.add.f32.msk $0xffff, v4  }
0x1ed: {  	v1 =	vld [tilespmem:s12+$0x19670]  }
0x1ee: {  	v2 =	vld [tilespmem:s12+$0x19640]  }
0x1ef: {  	v3 =	vld [tilespmem:s12+$0x19650]  }
0x1f0: {  	v4 =	vld [tilespmem:s12+$0x19660]  }
0x1f1: {  	[tilespmem:s11+$0x6A70] =	vst.add.f32.msk $0xffff, v0  }
0x1f2: {  	[tilespmem:s12+$0x9C70] =	vst.add.f32.msk $0xffff, v1  }
0x1f3: {  	[tilespmem:s12+$0x6A40] =	vst.add.f32.msk $0xffff, v2  }
0x1f4: {  	[tilespmem:s12+$0x9C40] =	vst.add.f32.msk $0xffff, v2  }
0x1f5: {  	[tilespmem:s12+$0x6A50] =	vst.add.f32.msk $0xffff, v3  }
0x1f6: {  	s19 =	sadd.s32 s10, s15;
	[tilespmem:s12+$0x9C50] =	vst.add.f32.msk $0xffff, v3  }
0x1f7: {  	s11 =	sshll.u32 s19, $0x3;
	[tilespmem:s12+$0x6A60] =	vst.add.f32.msk $0xffff, v4  }
0x1f8: {  	s11 =	sand.u32 $0x1FFFFE80, s11;
	[tilespmem:s12+$0x9C60] =	vst.add.f32.msk $0xffff, v4  }
0x1f9: {  	s11 =	sadd.s32 s2, s11;
	[tilespmem:s12+$0x6A70] =	vst.add.f32.msk $0xffff, v1  }
0x1fa: {  	[hbm4b:s11+s3] =	stream.linear.scatter [tilespmem:s23], [sflag:$0xA], $0x6400, $0x38;
	[tilespmem:$0x1C840] =	vst v63  }
0x1fb: {  	s11 =	simm.s32 @!p1 $0xC  }
0x1fc: {  	_ =	swait.ge @!p1 [sflag:s11], $0x6400  }
0x1fd: {  	[sflag:s11] =	ssyncset.done @!p1 $0x0  }
0x1fe: {  	[sflag:s11] =	ssyncadd.s32 @!p1 $0xFFFF9C00  }
0x1ff: {  	_ =	swait.ge [sflag:s1], $0x190  }
0x200: {  	[sflag:s1] =	ssyncset.done $0x0  }
0x201: {  	[sflag:s1] =	ssyncadd.s32 $0xFFFFFE70  }
0x202: {  	v0 =	vld [tilespmem:$0x4B0];
	_ =	sdelay $0x7  }
0x203: {  	[tilespmem:s20], [sflag:$0x8] =	stream.indirect_vreg.gather [hbm4b:s5+s3], $0x40, v0, vm0, $0xb8;
	[tilespmem:$0x1C840] =	vst v63  }
0x204: {  	v0 =	vld [tilespmem:$0x4C0];
	_ =	sdelay $0x6  }
0x205: {  	s12 =	simm.s32 $0x13640  }
0x206: {  	[tilespmem:s12], [sflag:$0x8] =	stream.indirect_vreg.gather [hbm4b:s5+s3], $0x40, v0, vm0, $0xb8;
	[tilespmem:$0x1C840] =	vst v63  }
0x207: {  	v0 =	vld [tilespmem:$0x4D0];
	_ =	sdelay $0x6  }
0x208: {  	s19 =	simm.s32 $0x13A40  }
0x209: {  	[tilespmem:s19], [sflag:$0x8] =	stream.indirect_vreg.gather [hbm4b:s5+s3], $0x40, v0, vm0, $0xb8;
	[tilespmem:$0x1C840] =	vst v63  }
0x20a: {  	v0 =	vld [tilespmem:$0x4E0];
	_ =	sdelay $0x6  }
0x20b: {  	s12 =	simm.s32 $0x13E40  }
0x20c: {  	[tilespmem:s12], [sflag:$0x8] =	stream.indirect_vreg.gather [hbm4b:s5+s3], $0x40, v0, vm0, $0xb8;
	[tilespmem:$0x1C840] =	vst v63  }
0x20d: {  	v0 =	vld [tilespmem:$0x4F0];
	_ =	sdelay $0x6  }
0x20e: {  	s19 =	simm.s32 $0x14240  }
0x20f: {  	[tilespmem:s19], [sflag:$0x8] =	stream.indirect_vreg.gather [hbm4b:s5+s3], $0x40, v0, vm0, $0xb8;
	[tilespmem:$0x1C840] =	vst v63  }
0x210: {  	v0 =	vld [tilespmem:$0x500];
	_ =	sdelay $0x6  }
0x211: {  	s12 =	simm.s32 $0x14640  }
0x212: {  	[tilespmem:s12], [sflag:$0x8] =	stream.indirect_vreg.gather [hbm4b:s5+s3], $0x40, v0, vm0, $0xb8;
	[tilespmem:$0x1C840] =	vst v63  }
0x213: {  	v0 =	vld [tilespmem:$0x510];
	_ =	sdelay $0x6  }
0x214: {  	s19 =	simm.s32 $0x14A40  }
0x215: {  	[tilespmem:s19], [sflag:$0x8] =	stream.indirect_vreg.gather [hbm4b:s5+s3], $0x40, v0, vm0, $0xb8;
	[tilespmem:$0x1C840] =	vst v63  }
0x216: {  	v0 =	vld [tilespmem:$0x520];
	_ =	sdelay $0x6  }
0x217: {  	s12 =	simm.s32 $0x14E40  }
0x218: {  	[tilespmem:s12], [sflag:$0x8] =	stream.indirect_vreg.gather [hbm4b:s5+s3], $0x40, v0, vm0, $0xb8;
	[tilespmem:$0x1C840] =	vst v63  }
0x219: {  	v0 =	vld [tilespmem:$0x530];
	_ =	sdelay $0x6  }
0x21a: {  	s19 =	simm.s32 $0x15240  }
0x21b: {  	[tilespmem:s19], [sflag:$0x8] =	stream.indirect_vreg.gather [hbm4b:s5+s3], $0x40, v0, vm0, $0xb8;
	[tilespmem:$0x1C840] =	vst v63  }
0x21c: {  	v0 =	vld [tilespmem:$0x540];
	_ =	sdelay $0x6  }
0x21d: {  	s12 =	simm.s32 $0x15640  }
0x21e: {  	[tilespmem:s12], [sflag:$0x8] =	stream.indirect_vreg.gather [hbm4b:s5+s3], $0x40, v0, vm0, $0xb8;
	[tilespmem:$0x1C840] =	vst v63  }
0x21f: {  	v0 =	vld [tilespmem:$0x550];
	_ =	sdelay $0x6  }
0x220: {  	s19 =	simm.s32 $0x15A40  }
0x221: {  	[tilespmem:s19], [sflag:$0x8] =	stream.indirect_vreg.gather [hbm4b:s5+s3], $0x40, v0, vm0, $0xb8;
	[tilespmem:$0x1C840] =	vst v63  }
0x222: {  	v0 =	vld [tilespmem:$0x560];
	_ =	sdelay $0x6  }
0x223: {  	s12 =	simm.s32 $0x15E40  }
0x224: {  	[tilespmem:s12], [sflag:$0x8] =	stream.indirect_vreg.gather [hbm4b:s5+s3], $0x40, v0, vm0, $0xb8;
	[tilespmem:$0x1C840] =	vst v63  }
0x225: {  	v0 =	vld [tilespmem:$0x570];
	_ =	sdelay $0x6  }
0x226: {  	s19 =	simm.s32 $0x16240  }
0x227: {  	[tilespmem:s19], [sflag:$0x8] =	stream.indirect_vreg.gather [hbm4b:s5+s3], $0x40, v0, vm0, $0xb8;
	[tilespmem:$0x1C840] =	vst v63  }
0x228: {  	v0 =	vld [tilespmem:$0x580];
	_ =	sdelay $0x6  }
0x229: {  	s12 =	simm.s32 $0x16640  }
0x22a: {  	[tilespmem:s12], [sflag:$0x8] =	stream.indirect_vreg.gather [hbm4b:s5+s3], $0x40, v0, vm0, $0xb8;
	[tilespmem:$0x1C840] =	vst v63  }
0x22b: {  	v0 =	vld [tilespmem:$0x590];
	_ =	sdelay $0x6  }
0x22c: {  	s19 =	simm.s32 $0x16A40  }
0x22d: {  	[tilespmem:s19], [sflag:$0x8] =	stream.indirect_vreg.gather [hbm4b:s5+s3], $0x40, v0, vm0, $0xb8;
	[tilespmem:$0x1C840] =	vst v63  }
0x22e: {  	v0 =	vld [tilespmem:$0x5A0];
	_ =	sdelay $0x6  }
0x22f: {  	s12 =	simm.s32 $0x16E40  }
0x230: {  	[tilespmem:s12], [sflag:$0x8] =	stream.indirect_vreg.gather [hbm4b:s5+s3], $0x40, v0, vm0, $0xb8;
	[tilespmem:$0x1C840] =	vst v63  }
0x231: {  	v0 =	vld [tilespmem:$0x5B0];
	_ =	sdelay $0x6  }
0x232: {  	s19 =	simm.s32 $0x17240  }
0x233: {  	[tilespmem:s19], [sflag:$0x8] =	stream.indirect_vreg.gather [hbm4b:s5+s3], $0x40, v0, vm0, $0xb8;
	[tilespmem:$0x1C840] =	vst v63  }
0x234: {  	v0 =	vld [tilespmem:$0x5C0];
	_ =	sdelay $0x6  }
0x235: {  	s12 =	simm.s32 $0x17640  }
0x236: {  	[tilespmem:s12], [sflag:$0x8] =	stream.indirect_vreg.gather [hbm4b:s5+s3], $0x40, v0, vm0, $0xb8;
	[tilespmem:$0x1C840] =	vst v63  }
0x237: {  	v0 =	vld [tilespmem:$0x5D0];
	_ =	sdelay $0x6  }
0x238: {  	s19 =	simm.s32 $0x17A40  }
0x239: {  	[tilespmem:s19], [sflag:$0x8] =	stream.indirect_vreg.gather [hbm4b:s5+s3], $0x40, v0, vm0, $0xb8;
	[tilespmem:$0x1C840] =	vst v63  }
0x23a: {  	v0 =	vld [tilespmem:$0x5E0];
	_ =	sdelay $0x6  }
0x23b: {  	s12 =	simm.s32 $0x17E40  }
0x23c: {  	[tilespmem:s12], [sflag:$0x8] =	stream.indirect_vreg.gather [hbm4b:s5+s3], $0x40, v0, vm0, $0xb8;
	[tilespmem:$0x1C840] =	vst v63  }
0x23d: {  	v0 =	vld [tilespmem:$0x5F0];
	_ =	sdelay $0x6  }
0x23e: {  	s19 =	simm.s32 $0x18240  }
0x23f: {  	[tilespmem:s19], [sflag:$0x8] =	stream.indirect_vreg.gather [hbm4b:s5+s3], $0x40, v0, vm0, $0xb8;
	[tilespmem:$0x1C840] =	vst v63  }
0x240: {  	v0 =	vld [tilespmem:$0x600];
	_ =	sdelay $0x6  }
0x241: {  	s12 =	simm.s32 $0x18640  }
0x242: {  	[tilespmem:s12], [sflag:$0x8] =	stream.indirect_vreg.gather [hbm4b:s5+s3], $0x40, v0, vm0, $0xb8;
	[tilespmem:$0x1C840] =	vst v63  }
0x243: {  	v0 =	vld [tilespmem:$0x610];
	_ =	sdelay $0x6  }
0x244: {  	s19 =	simm.s32 $0x18A40  }
0x245: {  	[tilespmem:s19], [sflag:$0x8] =	stream.indirect_vreg.gather [hbm4b:s5+s3], $0x40, v0, vm0, $0xb8;
	[tilespmem:$0x1C840] =	vst v63  }
0x246: {  	v0 =	vld [tilespmem:$0x620];
	_ =	sdelay $0x6  }
0x247: {  	s12 =	simm.s32 $0x18E40  }
0x248: {  	[tilespmem:s12], [sflag:$0x8] =	stream.indirect_vreg.gather [hbm4b:s5+s3], $0x40, v0, vm0, $0xb8;
	[tilespmem:$0x1C840] =	vst v63  }
0x249: {  	v0 =	vld [tilespmem:$0x630];
	_ =	sdelay $0x6  }
0x24a: {  	s19 =	simm.s32 $0x19240  }
0x24b: {  	[tilespmem:s19], [sflag:$0x8] =	stream.indirect_vreg.gather [hbm4b:s5+s3], $0x40, v0, vm0, $0xb8;
	[tilespmem:$0x1C840] =	vst v63  }
0x24c: {  	_ =	swait.ge [sflag:s8], $0x400  }
0x24d: {  	[sflag:s8] =	ssyncset.done $0x0  }
0x24e: {  	[sflag:s8] =	ssyncadd.s32 $0xFFFFFC00  }
0x24f: {  	_ =	swait.ge [sflag:s8], $0x400  }
0x250: {  	[sflag:s8] =	ssyncset.done $0x0  }
0x251: {  	[sflag:s8] =	ssyncadd.s32 $0xFFFFFC00  }
0x252: {  	_ =	swait.ge [sflag:s8], $0x400  }
0x253: {  	[sflag:s8] =	ssyncset.done $0x0  }
0x254: {  	[sflag:s8] =	ssyncadd.s32 $0xFFFFFC00  }
0x255: {  	_ =	swait.ge [sflag:s8], $0x400  }
0x256: {  	[sflag:s8] =	ssyncset.done $0x0  }
0x257: {  	[sflag:s8] =	ssyncadd.s32 $0xFFFFFC00  }
0x258: {  	_ =	swait.ge [sflag:s8], $0x400  }
0x259: {  	[sflag:s8] =	ssyncset.done $0x0  }
0x25a: {  	[sflag:s8] =	ssyncadd.s32 $0xFFFFFC00  }
0x25b: {  	_ =	swait.ge [sflag:s8], $0x400  }
0x25c: {  	[sflag:s8] =	ssyncset.done $0x0  }
0x25d: {  	[sflag:s8] =	ssyncadd.s32 $0xFFFFFC00  }
0x25e: {  	_ =	swait.ge [sflag:s8], $0x400  }
0x25f: {  	[sflag:s8] =	ssyncset.done $0x0  }
0x260: {  	[sflag:s8] =	ssyncadd.s32 $0xFFFFFC00  }
0x261: {  	_ =	swait.ge [sflag:s8], $0x400  }
0x262: {  	[sflag:s8] =	ssyncset.done $0x0  }
0x263: {  	[sflag:s8] =	ssyncadd.s32 $0xFFFFFC00  }
0x264: {  	_ =	swait.ge [sflag:s8], $0x400  }
0x265: {  	[sflag:s8] =	ssyncset.done $0x0  }
0x266: {  	[sflag:s8] =	ssyncadd.s32 $0xFFFFFC00  }
0x267: {  	_ =	swait.ge [sflag:s8], $0x400  }
0x268: {  	[sflag:s8] =	ssyncset.done $0x0  }
0x269: {  	[sflag:s8] =	ssyncadd.s32 $0xFFFFFC00  }
0x26a: {  	_ =	swait.ge [sflag:s8], $0x400  }
0x26b: {  	[sflag:s8] =	ssyncset.done $0x0  }
0x26c: {  	[sflag:s8] =	ssyncadd.s32 $0xFFFFFC00  }
0x26d: {  	_ =	swait.ge [sflag:s8], $0x400  }
0x26e: {  	[sflag:s8] =	ssyncset.done $0x0  }
0x26f: {  	[sflag:s8] =	ssyncadd.s32 $0xFFFFFC00  }
0x270: {  	_ =	swait.ge [sflag:s8], $0x400  }
0x271: {  	[sflag:s8] =	ssyncset.done $0x0  }
0x272: {  	[sflag:s8] =	ssyncadd.s32 $0xFFFFFC00  }
0x273: {  	_ =	swait.ge [sflag:s8], $0x400  }
0x274: {  	[sflag:s8] =	ssyncset.done $0x0  }
0x275: {  	[sflag:s8] =	ssyncadd.s32 $0xFFFFFC00  }
0x276: {  	_ =	swait.ge [sflag:s8], $0x400  }
0x277: {  	[sflag:s8] =	ssyncset.done $0x0  }
0x278: {  	[sflag:s8] =	ssyncadd.s32 $0xFFFFFC00  }
0x279: {  	_ =	swait.ge [sflag:s8], $0x400  }
0x27a: {  	[sflag:s8] =	ssyncset.done $0x0  }
0x27b: {  	[sflag:s8] =	ssyncadd.s32 $0xFFFFFC00  }
0x27c: {  	_ =	swait.ge [sflag:s8], $0x400  }
0x27d: {  	[sflag:s8] =	ssyncset.done $0x0  }
0x27e: {  	[sflag:s8] =	ssyncadd.s32 $0xFFFFFC00  }
0x27f: {  	_ =	swait.ge [sflag:s8], $0x400  }
0x280: {  	[sflag:s8] =	ssyncset.done $0x0  }
0x281: {  	[sflag:s8] =	ssyncadd.s32 $0xFFFFFC00  }
0x282: {  	_ =	swait.ge [sflag:s8], $0x400  }
0x283: {  	[sflag:s8] =	ssyncset.done $0x0  }
0x284: {  	[sflag:s8] =	ssyncadd.s32 $0xFFFFFC00  }
0x285: {  	_ =	swait.ge [sflag:s8], $0x400  }
0x286: {  	[sflag:s8] =	ssyncset.done $0x0  }
0x287: {  	[sflag:s8] =	ssyncadd.s32 $0xFFFFFC00  }
0x288: {  	_ =	swait.ge [sflag:s8], $0x400  }
0x289: {  	[sflag:s8] =	ssyncset.done $0x0  }
0x28a: {  	[sflag:s8] =	ssyncadd.s32 $0xFFFFFC00  }
0x28b: {  	_ =	swait.ge [sflag:s8], $0x400  }
0x28c: {  	[sflag:s8] =	ssyncset.done $0x0  }
0x28d: {  	[sflag:s8] =	ssyncadd.s32 $0xFFFFFC00  }
0x28e: {  	_ =	swait.ge [sflag:s8], $0x400  }
0x28f: {  	[sflag:s8] =	ssyncset.done $0x0  }
0x290: {  	[sflag:s8] =	ssyncadd.s32 $0xFFFFFC00  }
0x291: {  	_ =	swait.ge [sflag:s8], $0x400  }
0x292: {  	[sflag:s8] =	ssyncset.done $0x0  }
0x293: {  	s11 =	sadd.s32 @!p0 s10, s16;
	[sflag:s8] =	ssyncadd.s32 $0xFFFFFC00  }
0x294: {  	s11 =	sshrl.u32 @!p0 s11, $0x3;
	_ =	swait.ge [sflag:s8], $0x400  }
0x295: {  	s11 =	sadd.s32 @!p0 s6, s11;
	[sflag:s8] =	ssyncset.done $0x0  }
0x296: {  	s12 =	simm.s32 @!p0 $0x0;
	s19 =	simm.s32 @!p0 $0x320;
	[sflag:s8] =	ssyncadd.s32 $0xFFFFFC00  }
0x297: {  	[tilespmem:s19], [sflag:$0x3] =	stream.linear.gather @!p0 [hbm4b:s11+s12], $0x190, $0x38;
	[tilespmem:$0x1C840] =	vst v63  }
0x298: {  	s11 =	simm.s32 $0x0  }
0x299: {  	v0 =	vld [tilespmem:s11+$0x19670]  }
0x29a: {  	v1 =	vld [tilespmem:s11+$0x19640];
	_ =	sdelay $0x1  }
0x29b: {  	v2 =	vld [tilespmem:s11+$0x19650]  }
0x29c: {  	v3 =	vld [tilespmem:s11+$0x19660]  }
0x29d: {  	[tilespmem:s11+$0x10070] =	vst.add.f32.msk $0xffff, v0  }
0x29e: {  	[tilespmem:s11+$0xCE40] =	vst.add.f32.msk $0xffff, v1  }
0x29f: {  	[tilespmem:s11+$0x10040] =	vst.add.f32.msk $0xffff, v1  }
0x2a0: {  	[tilespmem:s11+$0xCE50] =	vst.add.f32.msk $0xffff, v2  }
0x2a1: {  	[tilespmem:s11+$0x10050] =	vst.add.f32.msk $0xffff, v2  }
0x2a2: {  	[tilespmem:s11+$0xCE60] =	vst.add.f32.msk $0xffff, v3  }
0x2a3: {  	s12 =	simm.s32 $0x40;
	s19 =	simm.s32 $0x200;
	[tilespmem:s11+$0x10060] =	vst.add.f32.msk $0xffff, v3  }
.LBB2_7:
0x2a4: {  	p1 =	sne.s32 s19, $0xC700;
	v1 =	vld [tilespmem:s12+$0x19670]  }
0x2a5: {  	v2 =	vld [tilespmem:s12+$0x19640]  }
0x2a6: {  	v3 =	vld [tilespmem:s12+$0x19650]  }
0x2a7: {  	v4 =	vld [tilespmem:s12+$0x19660]  }
0x2a8: {  	[tilespmem:s11+$0xCE70] =	vst.add.f32.msk $0xffff, v0;
	s11 =	smov.u32 s12  }
0x2a9: {  	[tilespmem:s11+$0x10070] =	vst.add.f32.msk $0xffff, v1;
	v0 =	vmov v1  }
0x2aa: {  	[tilespmem:s11+$0xCE40] =	vst.add.f32.msk $0xffff, v2  }
.Ltmp4:
0x2ab: {  	[tilespmem:s11+$0x10040] =	vst.add.f32.msk $0xffff, v2;
	(pc) =	sbr.rel @p1 .LBB2_7-.Ltmp4, $4  }
0x2ac: {  	[tilespmem:s11+$0xCE50] =	vst.add.f32.msk $0xffff, v3  }
0x2ad: {  	[tilespmem:s11+$0x10050] =	vst.add.f32.msk $0xffff, v3  }
0x2ae: {  	[tilespmem:s11+$0xCE60] =	vst.add.f32.msk $0xffff, v4  }
0x2af: {  	s12 =	sshra.s32 s19, $0x2;
	s19 =	sadd.s32 $0x100, s19;
	[tilespmem:s11+$0x10060] =	vst.add.f32.msk $0xffff, v4  }
0x2b0: {  	v1 =	vld [tilespmem:s12+$0x19670]  }
0x2b1: {  	v2 =	vld [tilespmem:s12+$0x19640]  }
0x2b2: {  	v3 =	vld [tilespmem:s12+$0x19650]  }
0x2b3: {  	v4 =	vld [tilespmem:s12+$0x19660]  }
0x2b4: {  	[tilespmem:s11+$0xCE70] =	vst.add.f32.msk $0xffff, v0  }
0x2b5: {  	[tilespmem:s12+$0x10070] =	vst.add.f32.msk $0xffff, v1  }
0x2b6: {  	[tilespmem:s12+$0xCE40] =	vst.add.f32.msk $0xffff, v2  }
0x2b7: {  	[tilespmem:s12+$0x10040] =	vst.add.f32.msk $0xffff, v2  }
0x2b8: {  	[tilespmem:s12+$0xCE50] =	vst.add.f32.msk $0xffff, v3  }
0x2b9: {  	s19 =	sadd.s32 s10, s17;
	[tilespmem:s12+$0x10050] =	vst.add.f32.msk $0xffff, v3  }
0x2ba: {  	s11 =	sshll.u32 s19, $0x3;
	[tilespmem:s12+$0xCE60] =	vst.add.f32.msk $0xffff, v4  }
0x2bb: {  	s11 =	sand.u32 $0x1FFFFF00, s11;
	[tilespmem:s12+$0x10060] =	vst.add.f32.msk $0xffff, v4  }
.Ltmp5:
0x2bc: {  	s11 =	sadd.s32 s2, s11;
	[tilespmem:s12+$0xCE70] =	vst.add.f32.msk $0xffff, v1;
	(pc) =	sbr.rel @p0 .LBB2_10-.Ltmp5, $4  }
0x2bd: {  	[hbm4b:s11+s3] =	stream.linear.scatter [tilespmem:s31], [sflag:$0xB], $0x6400, $0x38;
	[tilespmem:$0x1C840] =	vst v63  }
0x2be: {  	_ =	swait.ge [sflag:s21], $0x6400  }
0x2bf: {  	[sflag:s21] =	ssyncset.done $0x0  }
0x2c0: {  	[sflag:s21] =	ssyncadd.s32 $0xFFFF9C00  }
0x2c1: {  	_ =	swait.ge [sflag:s25], $0x190  }
0x2c2: {  	[sflag:s25] =	ssyncset.done $0x0  }
0x2c3: {  	[sflag:s25] =	ssyncadd.s32 $0xFFFFFE70  }
0x2c4: {  	v0 =	vld [tilespmem:$0x0];
	_ =	sdelay $0x7  }
0x2c5: {  	[tilespmem:s26], [sflag:$0x5] =	stream.indirect_vreg.gather [hbm4b:s5+s3], $0x40, v0, vm0, $0xb8;
	[tilespmem:$0x1C840] =	vst v63  }
0x2c6: {  	v0 =	vld [tilespmem:$0x10];
	_ =	sdelay $0x6  }
0x2c7: {  	s11 =	simm.s32 $0xA40  }
0x2c8: {  	[tilespmem:s11], [sflag:$0x5] =	stream.indirect_vreg.gather [hbm4b:s5+s3], $0x40, v0, vm0, $0xb8;
	[tilespmem:$0x1C840] =	vst v63  }
0x2c9: {  	v0 =	vld [tilespmem:$0x20];
	_ =	sdelay $0x6  }
0x2ca: {  	s19 =	simm.s32 $0xE40  }
0x2cb: {  	[tilespmem:s19], [sflag:$0x5] =	stream.indirect_vreg.gather [hbm4b:s5+s3], $0x40, v0, vm0, $0xb8;
	[tilespmem:$0x1C840] =	vst v63  }
0x2cc: {  	v0 =	vld [tilespmem:$0x30];
	_ =	sdelay $0x6  }
0x2cd: {  	s12 =	simm.s32 $0x1240  }
0x2ce: {  	[tilespmem:s12], [sflag:$0x5] =	stream.indirect_vreg.gather [hbm4b:s5+s3], $0x40, v0, vm0, $0xb8;
	[tilespmem:$0x1C840] =	vst v63  }
0x2cf: {  	v0 =	vld [tilespmem:$0x40];
	_ =	sdelay $0x6  }
0x2d0: {  	s19 =	simm.s32 $0x1640  }
0x2d1: {  	[tilespmem:s19], [sflag:$0x5] =	stream.indirect_vreg.gather [hbm4b:s5+s3], $0x40, v0, vm0, $0xb8;
	[tilespmem:$0x1C840] =	vst v63  }
0x2d2: {  	v0 =	vld [tilespmem:$0x50];
	_ =	sdelay $0x6  }
0x2d3: {  	s12 =	simm.s32 $0x1A40  }
0x2d4: {  	[tilespmem:s12], [sflag:$0x5] =	stream.indirect_vreg.gather [hbm4b:s5+s3], $0x40, v0, vm0, $0xb8;
	[tilespmem:$0x1C840] =	vst v63  }
0x2d5: {  	v0 =	vld [tilespmem:$0x60];
	_ =	sdelay $0x6  }
0x2d6: {  	s19 =	simm.s32 $0x1E40  }
0x2d7: {  	[tilespmem:s19], [sflag:$0x5] =	stream.indirect_vreg.gather [hbm4b:s5+s3], $0x40, v0, vm0, $0xb8;
	[tilespmem:$0x1C840] =	vst v63  }
0x2d8: {  	v0 =	vld [tilespmem:$0x70];
	_ =	sdelay $0x6  }
0x2d9: {  	s12 =	simm.s32 $0x2240  }
0x2da: {  	[tilespmem:s12], [sflag:$0x5] =	stream.indirect_vreg.gather [hbm4b:s5+s3], $0x40, v0, vm0, $0xb8;
	[tilespmem:$0x1C840] =	vst v63  }
0x2db: {  	v0 =	vld [tilespmem:$0x80];
	_ =	sdelay $0x6  }
0x2dc: {  	s19 =	simm.s32 $0x2640  }
0x2dd: {  	[tilespmem:s19], [sflag:$0x5] =	stream.indirect_vreg.gather [hbm4b:s5+s3], $0x40, v0, vm0, $0xb8;
	[tilespmem:$0x1C840] =	vst v63  }
0x2de: {  	v0 =	vld [tilespmem:$0x90];
	_ =	sdelay $0x6  }
0x2df: {  	s12 =	simm.s32 $0x2A40  }
0x2e0: {  	[tilespmem:s12], [sflag:$0x5] =	stream.indirect_vreg.gather [hbm4b:s5+s3], $0x40, v0, vm0, $0xb8;
	[tilespmem:$0x1C840] =	vst v63  }
0x2e1: {  	v0 =	vld [tilespmem:$0xA0];
	_ =	sdelay $0x6  }
0x2e2: {  	s19 =	simm.s32 $0x2E40  }
0x2e3: {  	[tilespmem:s19], [sflag:$0x5] =	stream.indirect_vreg.gather [hbm4b:s5+s3], $0x40, v0, vm0, $0xb8;
	[tilespmem:$0x1C840] =	vst v63  }
0x2e4: {  	v0 =	vld [tilespmem:$0xB0];
	_ =	sdelay $0x6  }
0x2e5: {  	s12 =	simm.s32 $0x3240  }
0x2e6: {  	[tilespmem:s12], [sflag:$0x5] =	stream.indirect_vreg.gather [hbm4b:s5+s3], $0x40, v0, vm0, $0xb8;
	[tilespmem:$0x1C840] =	vst v63  }
0x2e7: {  	v0 =	vld [tilespmem:$0xC0];
	_ =	sdelay $0x6  }
0x2e8: {  	s19 =	simm.s32 $0x3640  }
0x2e9: {  	[tilespmem:s19], [sflag:$0x5] =	stream.indirect_vreg.gather [hbm4b:s5+s3], $0x40, v0, vm0, $0xb8;
	[tilespmem:$0x1C840] =	vst v63  }
0x2ea: {  	v0 =	vld [tilespmem:$0xD0];
	_ =	sdelay $0x6  }
0x2eb: {  	s12 =	simm.s32 $0x3A40  }
0x2ec: {  	[tilespmem:s12], [sflag:$0x5] =	stream.indirect_vreg.gather [hbm4b:s5+s3], $0x40, v0, vm0, $0xb8;
	[tilespmem:$0x1C840] =	vst v63  }
0x2ed: {  	v0 =	vld [tilespmem:$0xE0];
	_ =	sdelay $0x6  }
0x2ee: {  	s19 =	simm.s32 $0x3E40  }
0x2ef: {  	[tilespmem:s19], [sflag:$0x5] =	stream.indirect_vreg.gather [hbm4b:s5+s3], $0x40, v0, vm0, $0xb8;
	[tilespmem:$0x1C840] =	vst v63  }
0x2f0: {  	v0 =	vld [tilespmem:$0xF0];
	_ =	sdelay $0x6  }
0x2f1: {  	s12 =	simm.s32 $0x4240  }
0x2f2: {  	[tilespmem:s12], [sflag:$0x5] =	stream.indirect_vreg.gather [hbm4b:s5+s3], $0x40, v0, vm0, $0xb8;
	[tilespmem:$0x1C840] =	vst v63  }
0x2f3: {  	v0 =	vld [tilespmem:$0x100];
	_ =	sdelay $0x6  }
0x2f4: {  	s19 =	simm.s32 $0x4640  }
0x2f5: {  	[tilespmem:s19], [sflag:$0x5] =	stream.indirect_vreg.gather [hbm4b:s5+s3], $0x40, v0, vm0, $0xb8;
	[tilespmem:$0x1C840] =	vst v63  }
0x2f6: {  	v0 =	vld [tilespmem:$0x110];
	_ =	sdelay $0x6  }
0x2f7: {  	s12 =	simm.s32 $0x4A40  }
0x2f8: {  	[tilespmem:s12], [sflag:$0x5] =	stream.indirect_vreg.gather [hbm4b:s5+s3], $0x40, v0, vm0, $0xb8;
	[tilespmem:$0x1C840] =	vst v63  }
0x2f9: {  	v0 =	vld [tilespmem:$0x120];
	_ =	sdelay $0x6  }
0x2fa: {  	s19 =	simm.s32 $0x4E40  }
0x2fb: {  	[tilespmem:s19], [sflag:$0x5] =	stream.indirect_vreg.gather [hbm4b:s5+s3], $0x40, v0, vm0, $0xb8;
	[tilespmem:$0x1C840] =	vst v63  }
0x2fc: {  	v0 =	vld [tilespmem:$0x130];
	_ =	sdelay $0x6  }
0x2fd: {  	s12 =	simm.s32 $0x5240  }
0x2fe: {  	[tilespmem:s12], [sflag:$0x5] =	stream.indirect_vreg.gather [hbm4b:s5+s3], $0x40, v0, vm0, $0xb8;
	[tilespmem:$0x1C840] =	vst v63  }
0x2ff: {  	v0 =	vld [tilespmem:$0x140];
	_ =	sdelay $0x6  }
0x300: {  	s19 =	simm.s32 $0x5640  }
0x301: {  	[tilespmem:s19], [sflag:$0x5] =	stream.indirect_vreg.gather [hbm4b:s5+s3], $0x40, v0, vm0, $0xb8;
	[tilespmem:$0x1C840] =	vst v63  }
0x302: {  	v0 =	vld [tilespmem:$0x150];
	_ =	sdelay $0x6  }
0x303: {  	s12 =	simm.s32 $0x5A40  }
0x304: {  	[tilespmem:s12], [sflag:$0x5] =	stream.indirect_vreg.gather [hbm4b:s5+s3], $0x40, v0, vm0, $0xb8;
	[tilespmem:$0x1C840] =	vst v63  }
0x305: {  	v0 =	vld [tilespmem:$0x160];
	_ =	sdelay $0x6  }
0x306: {  	s19 =	simm.s32 $0x5E40  }
0x307: {  	[tilespmem:s19], [sflag:$0x5] =	stream.indirect_vreg.gather [hbm4b:s5+s3], $0x40, v0, vm0, $0xb8;
	[tilespmem:$0x1C840] =	vst v63  }
0x308: {  	v0 =	vld [tilespmem:$0x170];
	_ =	sdelay $0x6  }
0x309: {  	s12 =	simm.s32 $0x6240  }
0x30a: {  	[tilespmem:s12], [sflag:$0x5] =	stream.indirect_vreg.gather [hbm4b:s5+s3], $0x40, v0, vm0, $0xb8;
	[tilespmem:$0x1C840] =	vst v63  }
0x30b: {  	v0 =	vld [tilespmem:$0x180];
	_ =	sdelay $0x6  }
0x30c: {  	s19 =	simm.s32 $0x6640  }
0x30d: {  	[tilespmem:s19], [sflag:$0x5] =	stream.indirect_vreg.gather [hbm4b:s5+s3], $0x40, v0, vm0, $0xb8;
	[tilespmem:$0x1C840] =	vst v63  }
.LBB2_10:
0x30e: {  	_ =	swait.ge [sflag:s28], $0x400  }
0x30f: {  	[sflag:s28] =	ssyncset.done $0x0  }
0x310: {  	[sflag:s28] =	ssyncadd.s32 $0xFFFFFC00  }
0x311: {  	_ =	swait.ge [sflag:s28], $0x400  }
0x312: {  	[sflag:s28] =	ssyncset.done $0x0  }
0x313: {  	[sflag:s28] =	ssyncadd.s32 $0xFFFFFC00  }
0x314: {  	_ =	swait.ge [sflag:s28], $0x400  }
0x315: {  	[sflag:s28] =	ssyncset.done $0x0  }
0x316: {  	[sflag:s28] =	ssyncadd.s32 $0xFFFFFC00  }
0x317: {  	_ =	swait.ge [sflag:s28], $0x400  }
0x318: {  	[sflag:s28] =	ssyncset.done $0x0  }
0x319: {  	[sflag:s28] =	ssyncadd.s32 $0xFFFFFC00  }
0x31a: {  	_ =	swait.ge [sflag:s28], $0x400  }
0x31b: {  	[sflag:s28] =	ssyncset.done $0x0  }
0x31c: {  	[sflag:s28] =	ssyncadd.s32 $0xFFFFFC00  }
0x31d: {  	_ =	swait.ge [sflag:s28], $0x400  }
0x31e: {  	[sflag:s28] =	ssyncset.done $0x0  }
0x31f: {  	[sflag:s28] =	ssyncadd.s32 $0xFFFFFC00  }
0x320: {  	_ =	swait.ge [sflag:s28], $0x400  }
0x321: {  	[sflag:s28] =	ssyncset.done $0x0  }
0x322: {  	[sflag:s28] =	ssyncadd.s32 $0xFFFFFC00  }
0x323: {  	_ =	swait.ge [sflag:s28], $0x400  }
0x324: {  	[sflag:s28] =	ssyncset.done $0x0  }
0x325: {  	[sflag:s28] =	ssyncadd.s32 $0xFFFFFC00  }
0x326: {  	_ =	swait.ge [sflag:s28], $0x400  }
0x327: {  	[sflag:s28] =	ssyncset.done $0x0  }
0x328: {  	[sflag:s28] =	ssyncadd.s32 $0xFFFFFC00  }
0x329: {  	_ =	swait.ge [sflag:s28], $0x400  }
0x32a: {  	[sflag:s28] =	ssyncset.done $0x0  }
0x32b: {  	[sflag:s28] =	ssyncadd.s32 $0xFFFFFC00  }
0x32c: {  	_ =	swait.ge [sflag:s28], $0x400  }
0x32d: {  	[sflag:s28] =	ssyncset.done $0x0  }
0x32e: {  	[sflag:s28] =	ssyncadd.s32 $0xFFFFFC00  }
0x32f: {  	_ =	swait.ge [sflag:s28], $0x400  }
0x330: {  	[sflag:s28] =	ssyncset.done $0x0  }
0x331: {  	[sflag:s28] =	ssyncadd.s32 $0xFFFFFC00  }
0x332: {  	_ =	swait.ge [sflag:s28], $0x400  }
0x333: {  	[sflag:s28] =	ssyncset.done $0x0  }
0x334: {  	[sflag:s28] =	ssyncadd.s32 $0xFFFFFC00  }
0x335: {  	_ =	swait.ge [sflag:s28], $0x400  }
0x336: {  	[sflag:s28] =	ssyncset.done $0x0  }
0x337: {  	[sflag:s28] =	ssyncadd.s32 $0xFFFFFC00  }
0x338: {  	_ =	swait.ge [sflag:s28], $0x400  }
0x339: {  	[sflag:s28] =	ssyncset.done $0x0  }
0x33a: {  	[sflag:s28] =	ssyncadd.s32 $0xFFFFFC00  }
0x33b: {  	_ =	swait.ge [sflag:s28], $0x400  }
0x33c: {  	[sflag:s28] =	ssyncset.done $0x0  }
0x33d: {  	[sflag:s28] =	ssyncadd.s32 $0xFFFFFC00  }
0x33e: {  	_ =	swait.ge [sflag:s28], $0x400  }
0x33f: {  	[sflag:s28] =	ssyncset.done $0x0  }
0x340: {  	[sflag:s28] =	ssyncadd.s32 $0xFFFFFC00  }
0x341: {  	_ =	swait.ge [sflag:s28], $0x400  }
0x342: {  	[sflag:s28] =	ssyncset.done $0x0  }
0x343: {  	[sflag:s28] =	ssyncadd.s32 $0xFFFFFC00  }
0x344: {  	_ =	swait.ge [sflag:s28], $0x400  }
0x345: {  	[sflag:s28] =	ssyncset.done $0x0  }
0x346: {  	[sflag:s28] =	ssyncadd.s32 $0xFFFFFC00  }
0x347: {  	_ =	swait.ge [sflag:s28], $0x400  }
0x348: {  	[sflag:s28] =	ssyncset.done $0x0  }
0x349: {  	[sflag:s28] =	ssyncadd.s32 $0xFFFFFC00  }
0x34a: {  	_ =	swait.ge [sflag:s28], $0x400  }
0x34b: {  	[sflag:s28] =	ssyncset.done $0x0  }
0x34c: {  	[sflag:s28] =	ssyncadd.s32 $0xFFFFFC00  }
0x34d: {  	_ =	swait.ge [sflag:s28], $0x400  }
0x34e: {  	[sflag:s28] =	ssyncset.done $0x0  }
0x34f: {  	[sflag:s28] =	ssyncadd.s32 $0xFFFFFC00  }
0x350: {  	_ =	swait.ge [sflag:s28], $0x400  }
0x351: {  	[sflag:s28] =	ssyncset.done $0x0  }
0x352: {  	[sflag:s28] =	ssyncadd.s32 $0xFFFFFC00  }
0x353: {  	_ =	swait.ge [sflag:s28], $0x400  }
0x354: {  	[sflag:s28] =	ssyncset.done $0x0  }
0x355: {  	[sflag:s28] =	ssyncadd.s32 $0xFFFFFC00  }
0x356: {  	s11 =	sadd.s32 @!p0 s10, s18;
	_ =	swait.ge [sflag:s28], $0x400  }
0x357: {  	s12 =	simm.s32 @!p0 $0x0;
	s11 =	sshrl.u32 @!p0 s11, $0x3;
	[sflag:s28] =	ssyncset.done $0x0  }
0x358: {  	s19 =	simm.s32 @!p0 $0x4B0;
	s11 =	sadd.s32 @!p0 s6, s11;
	[sflag:s28] =	ssyncadd.s32 $0xFFFFFC00  }
0x359: {  	[tilespmem:s19], [sflag:$0x4] =	stream.linear.gather @!p0 [hbm4b:s11+s12], $0x190, $0x38;
	[tilespmem:$0x1C840] =	vst v63  }
0x35a: {  	s11 =	simm.s32 $0x0  }
0x35b: {  	v0 =	vld [tilespmem:s11+$0x19670]  }
0x35c: {  	v1 =	vld [tilespmem:s11+$0x19640];
	_ =	sdelay $0x1  }
0x35d: {  	v2 =	vld [tilespmem:s11+$0x19650]  }
0x35e: {  	v3 =	vld [tilespmem:s11+$0x19660]  }
0x35f: {  	[tilespmem:s11+$0x16470] =	vst.add.f32.msk $0xffff, v0  }
0x360: {  	[tilespmem:s11+$0x13240] =	vst.add.f32.msk $0xffff, v1  }
0x361: {  	[tilespmem:s11+$0x16440] =	vst.add.f32.msk $0xffff, v1  }
0x362: {  	[tilespmem:s11+$0x13250] =	vst.add.f32.msk $0xffff, v2  }
0x363: {  	[tilespmem:s11+$0x16450] =	vst.add.f32.msk $0xffff, v2  }
0x364: {  	[tilespmem:s11+$0x13260] =	vst.add.f32.msk $0xffff, v3  }
0x365: {  	s12 =	simm.s32 $0x40;
	s19 =	simm.s32 $0x200;
	[tilespmem:s11+$0x16460] =	vst.add.f32.msk $0xffff, v3  }
.LBB2_11:
0x366: {  	p1 =	sne.s32 s19, $0xC700;
	v1 =	vld [tilespmem:s12+$0x19670]  }
0x367: {  	v2 =	vld [tilespmem:s12+$0x19640]  }
0x368: {  	v3 =	vld [tilespmem:s12+$0x19650]  }
0x369: {  	v4 =	vld [tilespmem:s12+$0x19660]  }
0x36a: {  	[tilespmem:s11+$0x13270] =	vst.add.f32.msk $0xffff, v0;
	s11 =	smov.u32 s12  }
0x36b: {  	[tilespmem:s11+$0x16470] =	vst.add.f32.msk $0xffff, v1;
	v0 =	vmov v1  }
0x36c: {  	[tilespmem:s11+$0x13240] =	vst.add.f32.msk $0xffff, v2  }
.Ltmp6:
0x36d: {  	[tilespmem:s11+$0x16440] =	vst.add.f32.msk $0xffff, v2;
	(pc) =	sbr.rel @p1 .LBB2_11-.Ltmp6, $4  }
0x36e: {  	[tilespmem:s11+$0x13250] =	vst.add.f32.msk $0xffff, v3  }
0x36f: {  	[tilespmem:s11+$0x16450] =	vst.add.f32.msk $0xffff, v3  }
0x370: {  	[tilespmem:s11+$0x13260] =	vst.add.f32.msk $0xffff, v4  }
0x371: {  	s12 =	sshra.s32 s19, $0x2;
	s19 =	sadd.s32 $0x100, s19;
	[tilespmem:s11+$0x16460] =	vst.add.f32.msk $0xffff, v4  }
0x372: {  	v1 =	vld [tilespmem:s12+$0x19670]  }
0x373: {  	v2 =	vld [tilespmem:s12+$0x19640]  }
0x374: {  	v3 =	vld [tilespmem:s12+$0x19650]  }
0x375: {  	v4 =	vld [tilespmem:s12+$0x19660]  }
0x376: {  	[tilespmem:s11+$0x13270] =	vst.add.f32.msk $0xffff, v0  }
0x377: {  	[tilespmem:s12+$0x16470] =	vst.add.f32.msk $0xffff, v1  }
0x378: {  	[tilespmem:s12+$0x13240] =	vst.add.f32.msk $0xffff, v2  }
0x379: {  	[tilespmem:s12+$0x16440] =	vst.add.f32.msk $0xffff, v2  }
0x37a: {  	[tilespmem:s12+$0x13250] =	vst.add.f32.msk $0xffff, v3  }
0x37b: {  	s10 =	sadd.s32 s10, s9;
	[tilespmem:s12+$0x16450] =	vst.add.f32.msk $0xffff, v3  }
0x37c: {  	s10 =	sshll.u32 s10, $0x3;
	[tilespmem:s12+$0x13260] =	vst.add.f32.msk $0xffff, v4  }
0x37d: {  	s10 =	sand.u32 $0x1FFFFF80, s10;
	[tilespmem:s12+$0x16460] =	vst.add.f32.msk $0xffff, v4  }
.Ltmp7:
0x37e: {  	s10 =	sadd.s32 s2, s10;
	[tilespmem:s12+$0x13270] =	vst.add.f32.msk $0xffff, v1;
	(pc) =	sbr.rel @p0 .LBB2_14-.Ltmp7, $4  }
0x37f: {  	[hbm4b:s10+s3] =	stream.linear.scatter [tilespmem:s20], [sflag:$0xC], $0x6400, $0x38;
	[tilespmem:$0x1C840] =	vst v63  }
0x380: {  	_ =	swait.ge [sflag:s24], $0x6400  }
0x381: {  	[sflag:s24] =	ssyncset.done $0x0  }
0x382: {  	[sflag:s24] =	ssyncadd.s32 $0xFFFF9C00  }
0x383: {  	_ =	swait.ge [sflag:s22], $0x190  }
0x384: {  	[sflag:s22] =	ssyncset.done $0x0  }
0x385: {  	[sflag:s22] =	ssyncadd.s32 $0xFFFFFE70  }
0x386: {  	v0 =	vld [tilespmem:$0x190];
	_ =	sdelay $0x7  }
0x387: {  	[tilespmem:s23], [sflag:$0x6] =	stream.indirect_vreg.gather [hbm4b:s5+s3], $0x40, v0, vm0, $0xb8;
	[tilespmem:$0x1C840] =	vst v63  }
0x388: {  	v0 =	vld [tilespmem:$0x1A0];
	_ =	sdelay $0x6  }
0x389: {  	s10 =	simm.s32 $0x6E40  }
0x38a: {  	[tilespmem:s10], [sflag:$0x6] =	stream.indirect_vreg.gather [hbm4b:s5+s3], $0x40, v0, vm0, $0xb8;
	[tilespmem:$0x1C840] =	vst v63  }
0x38b: {  	v0 =	vld [tilespmem:$0x1B0];
	_ =	sdelay $0x6  }
0x38c: {  	s12 =	simm.s32 $0x7240  }
0x38d: {  	[tilespmem:s12], [sflag:$0x6] =	stream.indirect_vreg.gather [hbm4b:s5+s3], $0x40, v0, vm0, $0xb8;
	[tilespmem:$0x1C840] =	vst v63  }
0x38e: {  	v0 =	vld [tilespmem:$0x1C0];
	_ =	sdelay $0x6  }
0x38f: {  	s19 =	simm.s32 $0x7640  }
0x390: {  	[tilespmem:s19], [sflag:$0x6] =	stream.indirect_vreg.gather [hbm4b:s5+s3], $0x40, v0, vm0, $0xb8;
	[tilespmem:$0x1C840] =	vst v63  }
0x391: {  	v0 =	vld [tilespmem:$0x1D0];
	_ =	sdelay $0x6  }
0x392: {  	s11 =	simm.s32 $0x7A40  }
0x393: {  	[tilespmem:s11], [sflag:$0x6] =	stream.indirect_vreg.gather [hbm4b:s5+s3], $0x40, v0, vm0, $0xb8;
	[tilespmem:$0x1C840] =	vst v63  }
0x394: {  	v0 =	vld [tilespmem:$0x1E0];
	_ =	sdelay $0x6  }
0x395: {  	s12 =	simm.s32 $0x7E40  }
0x396: {  	[tilespmem:s12], [sflag:$0x6] =	stream.indirect_vreg.gather [hbm4b:s5+s3], $0x40, v0, vm0, $0xb8;
	[tilespmem:$0x1C840] =	vst v63  }
0x397: {  	v0 =	vld [tilespmem:$0x1F0];
	_ =	sdelay $0x6  }
0x398: {  	s19 =	simm.s32 $0x8240  }
0x399: {  	[tilespmem:s19], [sflag:$0x6] =	stream.indirect_vreg.gather [hbm4b:s5+s3], $0x40, v0, vm0, $0xb8;
	[tilespmem:$0x1C840] =	vst v63  }
0x39a: {  	v0 =	vld [tilespmem:$0x200];
	_ =	sdelay $0x6  }
0x39b: {  	s11 =	simm.s32 $0x8640  }
0x39c: {  	[tilespmem:s11], [sflag:$0x6] =	stream.indirect_vreg.gather [hbm4b:s5+s3], $0x40, v0, vm0, $0xb8;
	[tilespmem:$0x1C840] =	vst v63  }
0x39d: {  	v0 =	vld [tilespmem:$0x210];
	_ =	sdelay $0x6  }
0x39e: {  	s12 =	simm.s32 $0x8A40  }
0x39f: {  	[tilespmem:s12], [sflag:$0x6] =	stream.indirect_vreg.gather [hbm4b:s5+s3], $0x40, v0, vm0, $0xb8;
	[tilespmem:$0x1C840] =	vst v63  }
0x3a0: {  	v0 =	vld [tilespmem:$0x220];
	_ =	sdelay $0x6  }
0x3a1: {  	s19 =	simm.s32 $0x8E40  }
0x3a2: {  	[tilespmem:s19], [sflag:$0x6] =	stream.indirect_vreg.gather [hbm4b:s5+s3], $0x40, v0, vm0, $0xb8;
	[tilespmem:$0x1C840] =	vst v63  }
0x3a3: {  	v0 =	vld [tilespmem:$0x230];
	_ =	sdelay $0x6  }
0x3a4: {  	s11 =	simm.s32 $0x9240  }
0x3a5: {  	[tilespmem:s11], [sflag:$0x6] =	stream.indirect_vreg.gather [hbm4b:s5+s3], $0x40, v0, vm0, $0xb8;
	[tilespmem:$0x1C840] =	vst v63  }
0x3a6: {  	v0 =	vld [tilespmem:$0x240];
	_ =	sdelay $0x6  }
0x3a7: {  	s12 =	simm.s32 $0x9640  }
0x3a8: {  	[tilespmem:s12], [sflag:$0x6] =	stream.indirect_vreg.gather [hbm4b:s5+s3], $0x40, v0, vm0, $0xb8;
	[tilespmem:$0x1C840] =	vst v63  }
0x3a9: {  	v0 =	vld [tilespmem:$0x250];
	_ =	sdelay $0x6  }
0x3aa: {  	s19 =	simm.s32 $0x9A40  }
0x3ab: {  	[tilespmem:s19], [sflag:$0x6] =	stream.indirect_vreg.gather [hbm4b:s5+s3], $0x40, v0, vm0, $0xb8;
	[tilespmem:$0x1C840] =	vst v63  }
0x3ac: {  	v0 =	vld [tilespmem:$0x260];
	_ =	sdelay $0x6  }
0x3ad: {  	s11 =	simm.s32 $0x9E40  }
0x3ae: {  	[tilespmem:s11], [sflag:$0x6] =	stream.indirect_vreg.gather [hbm4b:s5+s3], $0x40, v0, vm0, $0xb8;
	[tilespmem:$0x1C840] =	vst v63  }
0x3af: {  	v0 =	vld [tilespmem:$0x270];
	_ =	sdelay $0x6  }
0x3b0: {  	s12 =	simm.s32 $0xA240  }
0x3b1: {  	[tilespmem:s12], [sflag:$0x6] =	stream.indirect_vreg.gather [hbm4b:s5+s3], $0x40, v0, vm0, $0xb8;
	[tilespmem:$0x1C840] =	vst v63  }
0x3b2: {  	v0 =	vld [tilespmem:$0x280];
	_ =	sdelay $0x6  }
0x3b3: {  	s19 =	simm.s32 $0xA640  }
0x3b4: {  	[tilespmem:s19], [sflag:$0x6] =	stream.indirect_vreg.gather [hbm4b:s5+s3], $0x40, v0, vm0, $0xb8;
	[tilespmem:$0x1C840] =	vst v63  }
0x3b5: {  	v0 =	vld [tilespmem:$0x290];
	_ =	sdelay $0x6  }
0x3b6: {  	s11 =	simm.s32 $0xAA40  }
0x3b7: {  	[tilespmem:s11], [sflag:$0x6] =	stream.indirect_vreg.gather [hbm4b:s5+s3], $0x40, v0, vm0, $0xb8;
	[tilespmem:$0x1C840] =	vst v63  }
0x3b8: {  	v0 =	vld [tilespmem:$0x2A0];
	_ =	sdelay $0x6  }
0x3b9: {  	s12 =	simm.s32 $0xAE40  }
0x3ba: {  	[tilespmem:s12], [sflag:$0x6] =	stream.indirect_vreg.gather [hbm4b:s5+s3], $0x40, v0, vm0, $0xb8;
	[tilespmem:$0x1C840] =	vst v63  }
0x3bb: {  	v0 =	vld [tilespmem:$0x2B0];
	_ =	sdelay $0x6  }
0x3bc: {  	s19 =	simm.s32 $0xB240  }
0x3bd: {  	[tilespmem:s19], [sflag:$0x6] =	stream.indirect_vreg.gather [hbm4b:s5+s3], $0x40, v0, vm0, $0xb8;
	[tilespmem:$0x1C840] =	vst v63  }
0x3be: {  	v0 =	vld [tilespmem:$0x2C0];
	_ =	sdelay $0x6  }
0x3bf: {  	s11 =	simm.s32 $0xB640  }
0x3c0: {  	[tilespmem:s11], [sflag:$0x6] =	stream.indirect_vreg.gather [hbm4b:s5+s3], $0x40, v0, vm0, $0xb8;
	[tilespmem:$0x1C840] =	vst v63  }
0x3c1: {  	v0 =	vld [tilespmem:$0x2D0];
	_ =	sdelay $0x6  }
0x3c2: {  	s12 =	simm.s32 $0xBA40  }
0x3c3: {  	[tilespmem:s12], [sflag:$0x6] =	stream.indirect_vreg.gather [hbm4b:s5+s3], $0x40, v0, vm0, $0xb8;
	[tilespmem:$0x1C840] =	vst v63  }
0x3c4: {  	v0 =	vld [tilespmem:$0x2E0];
	_ =	sdelay $0x6  }
0x3c5: {  	s19 =	simm.s32 $0xBE40  }
0x3c6: {  	[tilespmem:s19], [sflag:$0x6] =	stream.indirect_vreg.gather [hbm4b:s5+s3], $0x40, v0, vm0, $0xb8;
	[tilespmem:$0x1C840] =	vst v63  }
0x3c7: {  	v0 =	vld [tilespmem:$0x2F0];
	_ =	sdelay $0x6  }
0x3c8: {  	s11 =	simm.s32 $0xC240  }
0x3c9: {  	[tilespmem:s11], [sflag:$0x6] =	stream.indirect_vreg.gather [hbm4b:s5+s3], $0x40, v0, vm0, $0xb8;
	[tilespmem:$0x1C840] =	vst v63  }
0x3ca: {  	v0 =	vld [tilespmem:$0x300];
	_ =	sdelay $0x6  }
0x3cb: {  	s12 =	simm.s32 $0xC640  }
0x3cc: {  	[tilespmem:s12], [sflag:$0x6] =	stream.indirect_vreg.gather [hbm4b:s5+s3], $0x40, v0, vm0, $0xb8;
	[tilespmem:$0x1C840] =	vst v63  }
0x3cd: {  	v0 =	vld [tilespmem:$0x310];
	_ =	sdelay $0x3  }
.Ltmp8:
0x3ce: {  	_ = 	snop;
	(pc) =	sbr.rel .LBB2_2-.Ltmp8, $3  }
0x3cf: {  	_ =	sdelay $0x1  }
0x3d0: {  	s7 =	sadd.s32 $0x1, s7;
	s19 =	simm.s32 $0xCA40  }
0x3d1: {  	[tilespmem:s19], [sflag:$0x6] =	stream.indirect_vreg.gather [hbm4b:s5+s3], $0x40, v0, vm0, $0xb8;
	[tilespmem:$0x1C840] =	vst v63  }
.LBB2_15:
0x3d2: {  	_ =	sfence.sel $0x180000  }
0x3d3: {  	[bflag:$0x0] =	sbarrier.arrive $0xFFFF  }
0x3d4: {  	_ =	strace $0x90000047  }
0x3d5: {  	s0 =	stileid.u32;
	[bflag:$0x2] =	sbarrier.arrive $0xFFFF  }
0x3d6: {  	p0 =	sne.s32 s0, $0x0;
	s0 =	rddreg [dreg:$0x2]  }
0x3d7: {  	s0 =	sadd.s32 @!p0 $0x100000, s0  }
0x3d8: {  	[sflag:s0] =	ssyncadd.tile.s32 @!p0 $0x1;
	_ =	shalt  }
.Lfunc_end2:
_tile_overlayer_lowered:
.L_overlay_start_2:
0x3d9: {  	(tag) =	ssettag $0x2  }
0x3da: {  	s0 =	rddreg [dreg:$0x0];
	s2 =	stileid.u32  }
0x3db: {  	s1 =	rddreg [dreg:$0x1];
	p0 =	sne.s32 s2, $0x0  }
0x3dc: {  	s3 =	rddreg [dreg:$0x2];
	[bflag:$0x3] =	sbarrier.arrive $0xFFFF;
	s2 =	simm.s32 @!p0 $0x1C0D  }
0x3dd: {  	[timem:s3], [sflag:s2] =	dma.local @!p0 [hbm:s0], s1  }
0x3de: {  	s0 =	simm.s32 @!p0 $0xD  }
0x3df: {  	_ =	swait.ge @!p0 [sflag:s0], s1  }
0x3e0: {  	s1 =	ssub.s32 @!p0 $0x0, s1;
	[sflag:s0] =	ssyncset.done @!p0 $0x0  }
0x3e1: {  	[sflag:s0] =	ssyncadd.s32 @!p0 s1  }
0x3e2: {  	[bflag:$0x3] =	sbarrier.arrive $0xFFFF  }
0x3e3: {  	_ =	shalt  }

// kernel: sparse-core-data-format-call.cloned.1.call-start
scs
called_computation_lowered:
.L_overlay_start_0:
0x0: {  	s2 =	sld [smem:$0x3FD9]  }
0x1: {  	s3 =	sld [smem:$0x3FFE];
	_ =	sdelay $0x1  }
0x2: {  	s1 =	srdreg.scid  }
0x3: {  	s0 =	sand.u32 $0x1, s1  }
0x4: {  	s18 =	sshll.u32 s0, $0xA;
	s2 =	sadd.s32 s3, s2  }
0x5: {  	s2 =	sadd.s32 s2, s18  }
0x6: {  	[smem:$0x3FC6] =	sst s2  }
0x7: {  	_ = 	snop  }
0x8: {  	s2 =	sld [smem:$0x3FD0];
	(tm) =	ssettm $0x1  }
0x9: {  	s19 =	sld [smem:$0x3FFB];
	_ =	sdelay $0x3  }
0xa: {  	_ =	strace s19  }
0xb: {  	s3 =	sld [smem:$0x3FFC];
	_ =	sdelay $0x3  }
0xc: {  	_ =	strace s3  }
0xd: {  	s3 =	sld [smem:$0x3FFD];
	_ =	sdelay $0x3  }
0xe: {  	_ =	strace s3  }
0xf: {  	_ =	strace $0x8FFFFFFF  }
0x10: {  	s20 =	sld [smem:$0x3FDB];
	_ =	sdelay $0x1  }
0x11: {  	s4 =	simm.s32 $_scs_section_size  }
0x12: {  	s5 =	simm.s32 $_size__tile_overlayer_lowered;
	s6 =	simm.s32 $_tile_overlayer_lowered  }
0x13: {  	s23 =	simm.s32 $0x1BFF;
	s22 =	sshll.u32 s6, $0x1;
	s3 =	sadd.s32 s4, s20  }
0x14: {  	s7 =	simm.s32 $0x0;
	s21 =	sshll.u32 s5, $0x1;
	s5 =	sadd.s32 s22, s3  }
0x15: {  	[timem:s7], [sflag:s23] =	dma.local [hbm:s5], s21  }
0x16: {  	_ =	swait.ge [sflag:s23], s21  }
0x17: {  	s4 =	ssub.s32 $0x0, s21;
	[sflag:s23] =	ssyncset.done $0x0  }
0x18: {  	[sflag:s23] =	ssyncadd.s32 s4;
	_ =	sdelay $0x1  }
0x19: {  	s24 =	simm.s32 $0x1B8B  }
0x1a: {  	_ =	swait.ge [sflag:s24], $0x1  }
0x1b: {  	[sflag:s24] =	ssyncset.done $0x0  }
0x1c: {  	s26 =	simm.s32 $0x1B8E;
	s25 =	sld [smem:$0x3FFE];
	[sflag:s24] =	ssyncadd.s32 $0xFFFFFFFF  }
0x1d: {  	s27 =	simm.s32 $execute0_lowered;
	[smem:$0x3FD2] =	sst s26  }
0x1e: {  	s5 =	sshll.u32 s27, $0x1;
	_ =	strace $0x80000049;
	[dreg:$0x1] =	wrdreg $0xFFFFFFFF  }
0x1f: {  	s28 =	simm.s32 $_size_execute0_lowered;
	s3 =	sadd.s32 s3, s5;
	[dreg:$0x0] =	wrdreg $0x0  }
0x20: {  	s5 =	sshll.u32 s28, $0x1;
	[dreg:$0x2] =	wrdreg s3  }
0x21: {  	[dreg:$0x3] =	wrdreg s5  }
0x22: {  	[dreg:$0x4] =	wrdreg $0xC0  }
0x23: {  	_ =	task [dreg:s7], $0x5FFFF  }
0x24: {  	[dreg:$0x1] =	wrdreg $0xFFFFFFFF  }
0x25: {  	[dreg:$0x0] =	wrdreg $0x60  }
0x26: {  	[dreg:$0x2] =	wrdreg s25  }
0x27: {  	[dreg:$0x3] =	wrdreg s2  }
0x28: {  	[dreg:$0x4] =	wrdreg $0x9  }
0x29: {  	_ =	task.clear_ibuf [dreg:s7], $0x5FFFF;
	_ =	strace $0x90000049  }
0x2a: {  	s29 =	simm.s32 $0x9;
	_ =	strace $0x8000004B  }
0x2b: {  	_ =	swait.ge [sflag:s29], $0x1  }
0x2c: {  	[sflag:s29] =	ssyncadd.s32 $0xFFFFFFFF  }
0x2d: {  	_ =	strace $0x9000004B  }
0x2e: {  	_ =	sfence  }
0x2f: {  	s30 =	sld [smem:$0x0];
	_ =	sdelay $0x2  }
0x30: {  	s31 =	sshll.u32 s1, $0xD;
	s1 =	sshrl.u32 s1, $0x2  }
0x31: {  	s3 =	sand.u32 $0x4000, s31;
	s1 =	sadd.s32 s1, s30  }
0x32: {  	s0 =	sor.u32 s3, s0;
	s1 =	sshll.u32 s1, $0x11  }
0x33: {  	s0 =	sor.u32 s1, s0  }
0x34: {  	s0 =	sadd.s32 $0x8F2B, s0  }
0x35: {  	[sflag:s0] =	ssyncadd.remote.s32 $0x1  }
0x36: {  	_ =	sfence.sel $0xFFFF  }
0x37: {  	[dreg:$0x0] =	wrdreg $0xFFFFFFFF;
	(pc) =	sbr.abs _section_cstart, $3  }
0x38: {  	[dreg:$0x1] =	wrdreg $0xFFFFFFFF  }
0x39: {  	_ =	task.clear_ibuf [dreg:s7], $0x2FFFF;
	_ =	strace $0x9FFFFFFF  }
0x3a: {  	(tm) =	ssettm $0x7FFFFFFF  }
0x3b: {  	_ =	shalt  }
tec
execute0_lowered:
.L_overlay_start_1:
0x0: {  	(tag) =	ssettag $0x1  }
0x1: {  	s0 =	srdreg.scid  }
0x2: {  	s1 =	sshll.u32 s0, $0x4  }
0x3: {  	s0 =	stileid.u32;
	s1 =	sand.u32 $0x10, s1  }
0x4: {  	s1 =	sor.u32 s0, s1  }
0x5: {  	s6 =	rddreg [dreg:$0x0];
	s4 =	simm.s32 $0x1;
	s2 =	sshll.u32 s1, $0x7  }
0x6: {  	s7 =	simm.s32 $0x2;
	s12 =	simm.s32 $0x0;
	s1 =	ssub.s32 $0x1000, s2  }
0x7: {  	s8 =	simm.s32 $0x8000;
	s13 =	simm.s32 $0x0;
	s3 =	sand.u32 $0xF80, s1  }
0x8: {  	s9 =	simm.s32 $0x0;
	s5 =	sshrl.u32 s1, $0xC;
	p0 =	sne.s32 s3, $0x0  }
.Ltmp0:
0x9: {  	s1 =	rddreg [dreg:$0x2];
	s4 =	simm.s32 @!p0 $0x0;
	(pc) =	sbr.rel .LBB1_1-.Ltmp0, $4  }
0xa: {  	s11 =	simm.s32 $0x0;
	s3 =	rddreg [dreg:$0x1];
	s5 =	sadd.s32 s4, s5  }
0xb: {  	_ =	strace $0x8000004A;
	s4 =	simm.s32 $0x1;
	s5 =	smul.u32 $0xC8, s5  }
0xc: {  	s6 =	sadd.s32 $0x1200, s6;
	s10 =	smov.u32 s2;
	[sflag:s4] =	ssyncpa.u1 $0x0  }
0xd: {  	p0 =	por $0x0, $0x0;
	[sflag:s7] =	ssyncpa.u1 $0x0;
	s7 =	sor.u32 $0x1, s5  }
.LBB1_4:
0xe: {  	s16 =	sshll.u32 s13, $0x3;
	s17 =	sand.u32 $0x78, s13  }
0xf: {  	s30 =	sand.u32 $0x7E00, s13;
	s12 =	sshll.u32 s12, $0xF;
	s16 =	sand.u32 $0xC00, s16  }
0x10: {  	[tilespmem:s15+$0x810 ss:$0x81] =	vst.msk $0xffff, v2;
	s31 =	sand.u32 $0x7, s13;
	s16 =	sor.u32 s17, s16;
	s17 =	sadd.s32 s3, s30  }
0x11: {  	[tilespmem:s15+$0x1020 ss:$0x81] =	vst.msk $0xffff, v0;
	s13 =	sshll.u32 s31, $0x12;
	s12 =	sadd.s32 s12, s17;
	s16 =	sshrl.u32 s16, $0x3  }
0x12: {  	[tilespmem:s15+$0x0 ss:$0x81] =	vst.msk $0xffff, v1;
	s13 =	sor.u32 $0x400, s13;
	s12 =	sadd.s32 s16, s12  }
0x13: {  	[hbm4b:s12+s13] =	stream.strided.scatter [tilespmem:s14], [sflag:$0x2], $0x2000, s8, s13, $0x20;
	[tilespmem:$0x8080] =	vst v63  }
.LBB1_5:
0x14: {  	s14 =	sadd.s32 $0x1, s9  }
0x15: {  	s12 =	sadd.s32 $0x1000, s10;
	s16 =	smov.u32 s10;
	p2 =	sgt.s32 s14, $0xC7  }
0x16: {  	s16 =	smov.u32 @p2 s12  }
0x17: {  	s14 =	simm.s32 @p2 $0x0;
	p2 =	sgt.s32 s16, $0xFFF  }
0x18: {  	s16 =	smov.u32 @p2 s2;
	p2 =	sne.s32 s11, s7  }
.Ltmp1:
0x19: {  	p1 =	slt.u32 s11, $0x2;
	(pc) =	sbr.rel @!p2 .LBB1_6-.Ltmp1, $4  }
0x1a: {  	s15 =	simm.s32 @!p1 $0x2  }
0x1b: {  	s13 =	smov.u32 s10;
	p0 =	por !p0, !p0;
	_ =	swait.ge @!p1 [sflag:s15], $0x2000  }
0x1c: {  	s12 =	smov.u32 s9;
	[sflag:s15] =	ssyncset.done @!p1 $0x0;
	s9 =	smov.u32 s14  }
0x1d: {  	s11 =	sadd.s32 $0x1, s11;
	[sflag:s15] =	ssyncadd.s32 @!p1 $0xFFFFE000;
	s10 =	smov.u32 s16  }
.LBB1_1:
0x1e: {  	p1 =	sge.u32 s11, s5  }
0x1f: {  	s14 =	sand.u32 @!p1 $0x1FFFFFF, s9  }
0x20: {  	s15 =	smulhi.u32 @!p1 $0x147AE15, s14;
	_ =	sdelay $0x1  }
0x21: {  	s15 =	smul.u32 @!p1 $0xC8, s15  }
0x22: {  	s16 =	sxor.u32 @!p1 $0xFFFFFFFF, s11;
	s17 =	smul.u32 @!p1 $0xC80, s10  }
0x23: {  	s31 =	sadd.s32 $0xFFFFFFFF, s11;
	s16 =	sshll.u32 @!p1 s16, $0xD;
	s14 =	ssub.s32 @!p1 s14, s15  }
0x24: {  	s15 =	sand.u32 @!p1 $0x2000, s16;
	s16 =	sadd.s32 @!p1 s6, s17;
	s14 =	sshll.u32 @!p1 s14, $0x4  }
0x25: {  	s17 =	simm.s32 @!p1 $0x6400;
	s14 =	sadd.s32 @!p1 s14, s16;
	s16 =	simm.s32 @!p1 $0x40  }
0x26: {  	[tilespmem:s15], [sflag:$0x1] =	stream.strided.gather @!p1 [hbm4b:s14+s16], $0x2000, s17, s16, $0x38;
	[tilespmem:$0x8080] =	vst v63  }
0x27: {  	p1 =	sge.u32 s31, s5  }
.Ltmp2:
0x28: {  	_ = 	snop;
	(pc) =	sbr.rel @p1 .LBB1_5-.Ltmp2, $1  }
0x29: {  	_ =	sdelay $0x3  }
0x2a: {  	s14 =	simm.s32 $0x1  }
0x2b: {  	_ =	swait.ge [sflag:s4], $0x2000;
	s14 =	simm.s32 @!p0 $0x0  }
0x2c: {  	[sflag:s4] =	ssyncset.done $0x0;
	s15 =	sshll.u32 s14, $0xD  }
0x2d: {  	[sflag:s4] =	ssyncadd.s32 $0xFFFFE000;
	s18 =	sor.u32 $0x20, s15  }
0x2e: {  	s14 =	smul.u32 $0x8100, s14;
	v3 =	vld [tilespmem:s18+$0x10]  }
0x2f: {  	s30 =	sand.u32 $0x1, s11;
	v2 =	vld [tilespmem:s18+$0xFFFFFFF0]  }
0x30: {  	s15 =	smul.u32 $0x8100, s30;
	s14 =	sshrl.u32 s14, $0x2;
	v0 =	vld [tilespmem:s18+$0x0]  }
0x31: {  	v1 =	vld [tilespmem:s18+$0xFFFFFFE0];
	s16 =	sor.u32 $0x4000, s14  }
0x32: {  	s31 =	sshrl.u32 s15, $0x2;
	s15 =	sadd.s32 $0x0, s16  }
0x33: {  	s17 =	simm.s32 $0x4;
	s18 =	sadd.s32 $0x40, s18;
	s14 =	sor.u32 $0x4000, s31;
	[tilespmem:s15+$0x1830 ss:$0x81] =	vst.msk $0xffff, v3  }
.LBB1_3:
0x34: {  	v3 =	vld [tilespmem:s18+$0x10];
	p1 =	sne.s32 s17, $0x1FC;
	[tilespmem:s15+$0x810 ss:$0x81] =	vst.msk $0xffff, v2;
	s19 =	smov.u32 s17;
	s17 =	sadd.s32 $0x4, s17  }
.Ltmp3:
0x35: {  	v2 =	vld [tilespmem:s18+$0xFFFFFFF0];
	[tilespmem:s15+$0x1020 ss:$0x81] =	vst.msk $0xffff, v0;
	(pc) =	sbr.rel @p1 .LBB1_3-.Ltmp3, $4  }
0x36: {  	v0 =	vld [tilespmem:s18+$0x0];
	[tilespmem:s15+$0x0 ss:$0x81] =	vst.msk $0xffff, v1  }
0x37: {  	s15 =	sshra.s32 s19, $0x2;
	v1 =	vld [tilespmem:s18+$0xFFFFFFE0]  }
0x38: {  	s15 =	sadd.s32 s15, s16  }
0x39: {  	s18 =	sadd.s32 $0x40, s18;
	[tilespmem:s15+$0x1830 ss:$0x81] =	vst.msk $0xffff, v3  }
.Ltmp4:
0x3a: {  	_ = 	snop;
	(pc) =	sbr.rel .LBB1_4-.Ltmp4, $1  }
0x3b: {  	_ =	sdelay $0x3  }
.LBB1_6:
0x3c: {  	_ =	sfence.sel $0x180000  }
0x3d: {  	s2 =	simm.s32 $0x1;
	[bflag:$0x0] =	sbarrier.arrive $0xFFFF  }
0x3e: {  	s31 =	simm.s32 $0x2;
	[sflag:s2] =	ssyncpa.u1 $0x1  }
0x3f: {  	[sflag:s31] =	ssyncpa.u1 $0x1  }
0x40: {  	p0 =	sne.s32 s0, $0x0;
	_ =	strace $0x9000004A  }
0x41: {  	s0 =	sadd.s32 @!p0 $0x100000, s1;
	[bflag:$0x2] =	sbarrier.arrive $0xFFFF  }
0x42: {  	[sflag:s0] =	ssyncadd.tile.s32 @!p0 $0x1;
	_ =	shalt  }
.Lfunc_end1:
_tile_overlayer_lowered:
.L_overlay_start_2:
0x43: {  	(tag) =	ssettag $0x2  }
0x44: {  	s0 =	rddreg [dreg:$0x0];
	s2 =	stileid.u32  }
0x45: {  	s1 =	rddreg [dreg:$0x1];
	p0 =	sne.s32 s2, $0x0  }
0x46: {  	s3 =	rddreg [dreg:$0x2];
	[bflag:$0x3] =	sbarrier.arrive $0xFFFF;
	s2 =	simm.s32 @!p0 $0x1C01  }
0x47: {  	[timem:s3], [sflag:s2] =	dma.local @!p0 [hbm:s0], s1  }
0x48: {  	s0 =	simm.s32 @!p0 $0x1  }
0x49: {  	_ =	swait.ge @!p0 [sflag:s0], s1  }
0x4a: {  	s1 =	ssub.s32 @!p0 $0x0, s1;
	[sflag:s0] =	ssyncset.done @!p0 $0x0  }
0x4b: {  	[sflag:s0] =	ssyncadd.s32 @!p0 s1  }
0x4c: {  	[bflag:$0x3] =	sbarrier.arrive $0xFFFF  }
0x4d: {  	_ =	shalt  }

</sc_bundles>
